<compile_context>
chip_gen: v7x
topology: tpu7x:2x2x1
jax: 0.10.2.dev20260603
libtpu: 0.0.44.dev20260713+nightly
codegen_flags: <defaults>
</compile_context>

<pallas_src>
import functools

import jax
import jax.numpy as jnp
from jax import lax
from jax.experimental import pallas as pl
from jax.experimental.pallas import tpu as pltpu
from jax.experimental.pallas import tpu_sc as plsc

B, R, CIN = 4, 2048, 4096
NSEL = 2048
NROWS = B * R
LANES = 16
CHUNK = 4
NBUF = 4


def _gather_chunk(idx_v, in_b, out_b):
    row_vecs = [jnp.full((LANES,), r, jnp.int32) for r in range(CHUNK)]

    JU = 4

    @plsc.parallel_loop(0, NSEL // (LANES * JU))
    def j_loop(j):
        j0 = j * JU
        cols = [idx_v[pl.ds((j0 + u) * LANES, LANES)] for u in range(JU)]
        vals = [
            plsc.load_gather(in_b, [row_vecs[r], cols[u]])
            for u in range(JU)
            for r in range(CHUNK)
        ]
        i = 0
        for u in range(JU):
            for r in range(CHUNK):
                out_b[r, pl.ds((j0 + u) * LANES, LANES)] = vals[i]
                i += 1


def _body(x_hbm, idx_hbm, out_hbm, idx_v, in_bufs, out_bufs, in_sems,
          out_sems, num_cores, num_subcores):
    wid = lax.axis_index("s") * num_cores + lax.axis_index("c")
    rows_per_w = NROWS // (num_cores * num_subcores)
    nchunk = rows_per_w // CHUNK
    npair = nchunk // NBUF
    base = wid * rows_per_w

    def in_copy(ci, b):
        row0 = base + ci * CHUNK
        return pltpu.make_async_copy(
            x_hbm.at[pl.ds(row0, CHUNK)], in_bufs[b], in_sems[b]
        )

    def out_copy(ci, b):
        row0 = base + ci * CHUNK
        return pltpu.make_async_copy(
            out_bufs[b], out_hbm.at[pl.ds(row0, CHUNK)], out_sems[b]
        )

    for b in range(NBUF):
        in_copy(b, b).start()
    pltpu.sync_copy(idx_hbm, idx_v)

    def pair_loop(p, carry):
        for b in range(NBUF):
            ci = p * NBUF + b
            in_copy(ci, b).wait()

            @pl.when(p > 0)
            def _():
                out_copy(ci - NBUF, b).wait()

            _gather_chunk(idx_v, in_bufs[b], out_bufs[b])
            out_copy(ci, b).start()

            @pl.when(p < npair - 1)
            def _():
                in_copy(ci + NBUF, b).start()

        return carry

    lax.fori_loop(0, npair, pair_loop, 0)

    for b in range(NBUF):
        out_copy(nchunk - NBUF + b, b).wait()


def kernel(input, indices):
    x = input.reshape(NROWS, CIN)
    info = plsc.get_sparse_core_info()
    num_cores = info.num_cores
    mesh = plsc.VectorSubcoreMesh(core_axis_name="c", subcore_axis_name="s")

    run = functools.partial(
        pl.kernel,
        mesh=mesh,
        out_type=jax.ShapeDtypeStruct((NROWS, NSEL), jnp.float32),
        compiler_params=pltpu.CompilerParams(needs_layout_passes=False),
        scratch_types=[
            pltpu.VMEM((NSEL,), jnp.int32),
            [pltpu.VMEM((CHUNK, CIN), jnp.float32) for _ in range(NBUF)],
            [pltpu.VMEM((CHUNK, NSEL), jnp.float32) for _ in range(NBUF)],
            [pltpu.SemaphoreType.DMA for _ in range(NBUF)],
            [pltpu.SemaphoreType.DMA for _ in range(NBUF)],
        ],
    )(functools.partial(_body, num_cores=num_cores,
                        num_subcores=info.num_subcores))

    out = run(x, indices.astype(jnp.int32))
    return out.reshape(B, R, NSEL)

# --- scband reference (transcript-rebuilt; emitter-appended) ---
"""Pipeline reference for scband-index-select-dynamic-module-1082331759287 (READ-ONLY COPY).

The authoritative reference and input builder live on the scoring server;
editing this copy changes nothing except your own understanding.
"""

import jax, jax.numpy as jnp
import numpy as np


def setup_inputs(seed: int = 0) -> dict:
    key = jax.random.key(seed)
    k1, k2 = jax.random.split(key)
    input = jax.random.normal(k1, (4, 2048, 4096), dtype=jnp.float32)
    indices = jax.random.randint(k2, (2048,), 0, 4096, dtype=jnp.int64 if jax.config.jax_enable_x64 else jnp.int32).astype(jnp.int32)
    return {"input": input, "indices": indices}


def reference(input, indices):
    # torch.index_select(input, 2, indices) -> gather along axis 2
    return jnp.take(input, indices, axis=2)

if __name__ == "__main__":
    import jax
    _d = setup_inputs()
    print(jax.jit(kernel)(*tuple(_d.values())))

</pallas_src>

<mosaic_0001>
#map = affine_map<(d0, d1) -> (0, 0)>
#map1 = affine_map<(d0, d1) -> (0)>
module attributes {stable_mosaic.version = 14 : i64} {
  func.func @_body(%arg0: i32, %arg1: i32, %arg2: memref<8192x4096xf32, #tpu.memory_space<hbm>>, %arg3: memref<2048xi32, #tpu.memory_space<hbm>>, %arg4: memref<8192x2048xf32, #tpu.memory_space<hbm>>, %arg5: memref<2048xi32, #tpu.memory_space<vmem>>, %arg6: memref<4x4096xf32, #tpu.memory_space<vmem>>, %arg7: memref<4x4096xf32, #tpu.memory_space<vmem>>, %arg8: memref<4x4096xf32, #tpu.memory_space<vmem>>, %arg9: memref<4x4096xf32, #tpu.memory_space<vmem>>, %arg10: memref<4x2048xf32, #tpu.memory_space<vmem>>, %arg11: memref<4x2048xf32, #tpu.memory_space<vmem>>, %arg12: memref<4x2048xf32, #tpu.memory_space<vmem>>, %arg13: memref<4x2048xf32, #tpu.memory_space<vmem>>, %arg14: memref<!tpu.dma_semaphore, #tpu.memory_space<semaphore_mem>>, %arg15: memref<!tpu.dma_semaphore, #tpu.memory_space<semaphore_mem>>, %arg16: memref<!tpu.dma_semaphore, #tpu.memory_space<semaphore_mem>>, %arg17: memref<!tpu.dma_semaphore, #tpu.memory_space<semaphore_mem>>, %arg18: memref<!tpu.dma_semaphore, #tpu.memory_space<semaphore_mem>>, %arg19: memref<!tpu.dma_semaphore, #tpu.memory_space<semaphore_mem>>, %arg20: memref<!tpu.dma_semaphore, #tpu.memory_space<semaphore_mem>>, %arg21: memref<!tpu.dma_semaphore, #tpu.memory_space<semaphore_mem>>) attributes {dimension_semantics = [#tpu.dimension_semantics<core_parallel>, #tpu.dimension_semantics<subcore_parallel>], iteration_bounds = array<i64: 2, 16>, scalar_prefetch = 0 : i64, scratch_operands = 17 : i64, tpu.core_type = #tpu.core_type<sc_vector_subcore>, window_params = [{transform_indices = #map}, {transform_indices = #map1}, {transform_indices = #map}]} {
    %mul3A = arith.constant 2 : i32
    %mul3A_0 = arith.muli %arg1, %mul3A : i32
    %add3A = arith.addi %mul3A_0, %arg0 : i32
    %mul3A_1 = arith.constant 256 : i32
    %mul3A_2 = arith.muli %add3A, %mul3A_1 : i32
    %add3A_3 = arith.constant 0 : i32
    %add3A_4 = arith.addi %mul3A_2, %add3A_3 : i32
    %dma_start3A = arith.constant 0 : i32
    %dma_start3A_5 = tpu.memref_slice %arg2[%add3A_4, %dma_start3A] : memref<8192x4096xf32, #tpu.memory_space<hbm>> -> memref<4x4096xf32, #tpu.memory_space<hbm>>
    %dma_start3A_6 = arith.constant 0 : i32
    %dma_start3A_7 = tpu.memref_slice %arg2[%add3A_4, %dma_start3A_6] : memref<8192x4096xf32, #tpu.memory_space<hbm>> -> memref<4x4096xf32, #tpu.memory_space<hbm>>
    tpu.enqueue_dma source(%dma_start3A_7 : memref<4x4096xf32, #tpu.memory_space<hbm>>) target(%arg6 : memref<4x4096xf32, #tpu.memory_space<vmem>>) target_semaphore(%arg14 : memref<!tpu.dma_semaphore, #tpu.memory_space<semaphore_mem>>)
    %add3A_8 = arith.constant 4 : i32
    %add3A_9 = arith.addi %mul3A_2, %add3A_8 : i32
    %dma_start3A_10 = arith.constant 0 : i32
    %dma_start3A_11 = tpu.memref_slice %arg2[%add3A_9, %dma_start3A_10] : memref<8192x4096xf32, #tpu.memory_space<hbm>> -> memref<4x4096xf32, #tpu.memory_space<hbm>>
    %dma_start3A_12 = arith.constant 0 : i32
    %dma_start3A_13 = tpu.memref_slice %arg2[%add3A_9, %dma_start3A_12] : memref<8192x4096xf32, #tpu.memory_space<hbm>> -> memref<4x4096xf32, #tpu.memory_space<hbm>>
    tpu.enqueue_dma source(%dma_start3A_13 : memref<4x4096xf32, #tpu.memory_space<hbm>>) target(%arg7 : memref<4x4096xf32, #tpu.memory_space<vmem>>) target_semaphore(%arg15 : memref<!tpu.dma_semaphore, #tpu.memory_space<semaphore_mem>>)
    %add3A_14 = arith.constant 8 : i32
    %add3A_15 = arith.addi %mul3A_2, %add3A_14 : i32
    %dma_start3A_16 = arith.constant 0 : i32
    %dma_start3A_17 = tpu.memref_slice %arg2[%add3A_15, %dma_start3A_16] : memref<8192x4096xf32, #tpu.memory_space<hbm>> -> memref<4x4096xf32, #tpu.memory_space<hbm>>
    %dma_start3A_18 = arith.constant 0 : i32
    %dma_start3A_19 = tpu.memref_slice %arg2[%add3A_15, %dma_start3A_18] : memref<8192x4096xf32, #tpu.memory_space<hbm>> -> memref<4x4096xf32, #tpu.memory_space<hbm>>
    tpu.enqueue_dma source(%dma_start3A_19 : memref<4x4096xf32, #tpu.memory_space<hbm>>) target(%arg8 : memref<4x4096xf32, #tpu.memory_space<vmem>>) target_semaphore(%arg16 : memref<!tpu.dma_semaphore, #tpu.memory_space<semaphore_mem>>)
    %add3A_20 = arith.constant 12 : i32
    %add3A_21 = arith.addi %mul3A_2, %add3A_20 : i32
    %dma_start3A_22 = arith.constant 0 : i32
    %dma_start3A_23 = tpu.memref_slice %arg2[%add3A_21, %dma_start3A_22] : memref<8192x4096xf32, #tpu.memory_space<hbm>> -> memref<4x4096xf32, #tpu.memory_space<hbm>>
    %dma_start3A_24 = arith.constant 0 : i32
    %dma_start3A_25 = tpu.memref_slice %arg2[%add3A_21, %dma_start3A_24] : memref<8192x4096xf32, #tpu.memory_space<hbm>> -> memref<4x4096xf32, #tpu.memory_space<hbm>>
    tpu.enqueue_dma source(%dma_start3A_25 : memref<4x4096xf32, #tpu.memory_space<hbm>>) target(%arg9 : memref<4x4096xf32, #tpu.memory_space<vmem>>) target_semaphore(%arg17 : memref<!tpu.dma_semaphore, #tpu.memory_space<semaphore_mem>>)
    "tpu.region"() ({
      %run_scoped3A = tpu.sem_alloc : memref<!tpu.dma_semaphore, #tpu.memory_space<semaphore_mem>>
      tpu.enqueue_dma source(%arg3 : memref<2048xi32, #tpu.memory_space<hbm>>) target(%arg5 : memref<2048xi32, #tpu.memory_space<vmem>>) target_semaphore(%run_scoped3A : memref<!tpu.dma_semaphore, #tpu.memory_space<semaphore_mem>>)
      tpu.wait_dma2 semaphore(%run_scoped3A : memref<!tpu.dma_semaphore, #tpu.memory_space<semaphore_mem>>) src(%arg3 : memref<2048xi32, #tpu.memory_space<hbm>>) dst(%arg5 : memref<2048xi32, #tpu.memory_space<vmem>>)
      tpu.yield
    }) : () -> ()
    %scan3A = arith.constant 0 : i32
    %scan3A_26 = arith.constant 0 : i32
    %scan3A_27 = arith.constant 16 : i32
    %scan3A_28 = arith.addi %scan3A_26, %scan3A_27 : i32
    %scan3A_29 = arith.constant 1 : i32
    scf.for %scan3A_54 = %scan3A_26 to %scan3A_28 step %scan3A_29  : i32 {
      %mul3A_55 = arith.constant 4 : i32
      %mul3A_56 = arith.muli %scan3A_54, %mul3A_55 : i32
      %add3A_57 = arith.constant 0 : i32
      %add3A_58 = arith.addi %mul3A_56, %add3A_57 : i32
      %mul3A_59 = arith.constant 4 : i32
      %mul3A_60 = arith.muli %add3A_58, %mul3A_59 : i32
      %add3A_61 = arith.addi %mul3A_2, %mul3A_60 : i32
      %dma_wait3A_62 = arith.constant 0 : i32
      %dma_wait3A_63 = tpu.memref_slice %arg2[%add3A_61, %dma_wait3A_62] : memref<8192x4096xf32, #tpu.memory_space<hbm>> -> memref<4x4096xf32, #tpu.memory_space<hbm>>
      %dma_wait3A_64 = arith.constant 0 : i32
      %dma_wait3A_65 = tpu.memref_slice %arg2[%add3A_61, %dma_wait3A_64] : memref<8192x4096xf32, #tpu.memory_space<hbm>> -> memref<4x4096xf32, #tpu.memory_space<hbm>>
      tpu.wait_dma2 semaphore(%arg14 : memref<!tpu.dma_semaphore, #tpu.memory_space<semaphore_mem>>) src(%dma_wait3A_65 : memref<4x4096xf32, #tpu.memory_space<hbm>>) dst(%arg6 : memref<4x4096xf32, #tpu.memory_space<vmem>>)
      %gt3A = arith.constant 0 : i32
      %gt3A_66 = arith.cmpi sgt, %scan3A_54, %gt3A : i32
      %convert_element_type3A = arith.extui %gt3A_66 : i1 to i32
      %cond3A = arith.constant 0 : i32
      %cond3A_67 = arith.cmpi ne, %convert_element_type3A, %cond3A : i32
      scf.if %cond3A_67 {
        %sub3A = arith.constant 4 : i32
        %sub3A_205 = arith.subi %add3A_58, %sub3A : i32
        %mul3A_206 = arith.constant 4 : i32
        %mul3A_207 = arith.muli %sub3A_205, %mul3A_206 : i32
        %add3A_208 = arith.addi %mul3A_2, %mul3A_207 : i32
        %dma_wait3A_209 = arith.constant 0 : i32
        %dma_wait3A_210 = tpu.memref_slice %arg4[%add3A_208, %dma_wait3A_209] : memref<8192x2048xf32, #tpu.memory_space<hbm>> -> memref<4x2048xf32, #tpu.memory_space<hbm>>
        %dma_wait3A_211 = arith.constant 0 : i32
        %dma_wait3A_212 = tpu.memref_slice %arg4[%add3A_208, %dma_wait3A_211] : memref<8192x2048xf32, #tpu.memory_space<hbm>> -> memref<4x2048xf32, #tpu.memory_space<hbm>>
        tpu.wait_dma2 semaphore(%arg18 : memref<!tpu.dma_semaphore, #tpu.memory_space<semaphore_mem>>) src(%arg10 : memref<4x2048xf32, #tpu.memory_space<vmem>>) dst(%dma_wait3A_212 : memref<4x2048xf32, #tpu.memory_space<hbm>>)
      } else {
      }
      %broadcast_in_dim3A = arith.constant 0 : i32
      %broadcast_in_dim3A_68 = vector.broadcast %broadcast_in_dim3A : i32 to vector<16xi32>
      %broadcast_in_dim3A_69 = arith.constant 1 : i32
      %broadcast_in_dim3A_70 = vector.broadcast %broadcast_in_dim3A_69 : i32 to vector<16xi32>
      %broadcast_in_dim3A_71 = arith.constant 2 : i32
      %broadcast_in_dim3A_72 = vector.broadcast %broadcast_in_dim3A_71 : i32 to vector<16xi32>
      %broadcast_in_dim3A_73 = arith.constant 3 : i32
      %broadcast_in_dim3A_74 = vector.broadcast %broadcast_in_dim3A_73 : i32 to vector<16xi32>
      %parallel_loop3A = arith.constant 0 : i32
      %parallel_loop3A_75 = arith.constant 32 : i32
      %parallel_loop3A_76 = arith.constant 1 : i32
      scf.for %parallel_loop3A_205 = %parallel_loop3A to %parallel_loop3A_75 step %parallel_loop3A_76  : i32 {
        %parallel_loop3A_206 = arith.constant 4 : i32
        %parallel_loop3A_207 = arith.muli %parallel_loop3A_205, %parallel_loop3A_206 : i32
        %parallel_loop3A_208 = arith.constant 0 : i32
        %parallel_loop3A_209 = arith.addi %parallel_loop3A_207, %parallel_loop3A_208 : i32
        %parallel_loop3A_210 = arith.constant 16 : i32
        %parallel_loop3A_211 = arith.muli %parallel_loop3A_209, %parallel_loop3A_210 : i32
        %parallel_loop3A_212 = arith.index_cast %parallel_loop3A_211 : i32 to index
        %parallel_loop3A_213 = tpu.vector_load %arg5[%parallel_loop3A_212] {strides = array<i32>} : memref<2048xi32, #tpu.memory_space<vmem>>, vector<16xi32>,
        %parallel_loop3A_214 = arith.constant 1 : i32
        %parallel_loop3A_215 = arith.addi %parallel_loop3A_207, %parallel_loop3A_214 : i32
        %parallel_loop3A_216 = arith.constant 16 : i32
        %parallel_loop3A_217 = arith.muli %parallel_loop3A_215, %parallel_loop3A_216 : i32
        %parallel_loop3A_218 = arith.index_cast %parallel_loop3A_217 : i32 to index
        %parallel_loop3A_219 = tpu.vector_load %arg5[%parallel_loop3A_218] {strides = array<i32>} : memref<2048xi32, #tpu.memory_space<vmem>>, vector<16xi32>,
        %parallel_loop3A_220 = arith.constant 2 : i32
        %parallel_loop3A_221 = arith.addi %parallel_loop3A_207, %parallel_loop3A_220 : i32
        %parallel_loop3A_222 = arith.constant 16 : i32
        %parallel_loop3A_223 = arith.muli %parallel_loop3A_221, %parallel_loop3A_222 : i32
        %parallel_loop3A_224 = arith.index_cast %parallel_loop3A_223 : i32 to index
        %parallel_loop3A_225 = tpu.vector_load %arg5[%parallel_loop3A_224] {strides = array<i32>} : memref<2048xi32, #tpu.memory_space<vmem>>, vector<16xi32>,
        %parallel_loop3A_226 = arith.constant 3 : i32
        %parallel_loop3A_227 = arith.addi %parallel_loop3A_207, %parallel_loop3A_226 : i32
        %parallel_loop3A_228 = arith.constant 16 : i32
        %parallel_loop3A_229 = arith.muli %parallel_loop3A_227, %parallel_loop3A_228 : i32
        %parallel_loop3A_230 = arith.index_cast %parallel_loop3A_229 : i32 to index
        %parallel_loop3A_231 = tpu.vector_load %arg5[%parallel_loop3A_230] {strides = array<i32>} : memref<2048xi32, #tpu.memory_space<vmem>>, vector<16xi32>,
        %parallel_loop3A_232 = tpu.vector_load_idx %arg6[%broadcast_in_dim3A_68, %parallel_loop3A_213] : memref<4x4096xf32, #tpu.memory_space<vmem>>[vector<16xi32>, vector<16xi32>], vector<16xf32>,
        %parallel_loop3A_233 = tpu.vector_load_idx %arg6[%broadcast_in_dim3A_70, %parallel_loop3A_213] : memref<4x4096xf32, #tpu.memory_space<vmem>>[vector<16xi32>, vector<16xi32>], vector<16xf32>,
        %parallel_loop3A_234 = tpu.vector_load_idx %arg6[%broadcast_in_dim3A_72, %parallel_loop3A_213] : memref<4x4096xf32, #tpu.memory_space<vmem>>[vector<16xi32>, vector<16xi32>], vector<16xf32>,
        %parallel_loop3A_235 = tpu.vector_load_idx %arg6[%broadcast_in_dim3A_74, %parallel_loop3A_213] : memref<4x4096xf32, #tpu.memory_space<vmem>>[vector<16xi32>, vector<16xi32>], vector<16xf32>,
        %parallel_loop3A_236 = tpu.vector_load_idx %arg6[%broadcast_in_dim3A_68, %parallel_loop3A_219] : memref<4x4096xf32, #tpu.memory_space<vmem>>[vector<16xi32>, vector<16xi32>], vector<16xf32>,
        %parallel_loop3A_237 = tpu.vector_load_idx %arg6[%broadcast_in_dim3A_70, %parallel_loop3A_219] : memref<4x4096xf32, #tpu.memory_space<vmem>>[vector<16xi32>, vector<16xi32>], vector<16xf32>,
        %parallel_loop3A_238 = tpu.vector_load_idx %arg6[%broadcast_in_dim3A_72, %parallel_loop3A_219] : memref<4x4096xf32, #tpu.memory_space<vmem>>[vector<16xi32>, vector<16xi32>], vector<16xf32>,
        %parallel_loop3A_239 = tpu.vector_load_idx %arg6[%broadcast_in_dim3A_74, %parallel_loop3A_219] : memref<4x4096xf32, #tpu.memory_space<vmem>>[vector<16xi32>, vector<16xi32>], vector<16xf32>,
        %parallel_loop3A_240 = tpu.vector_load_idx %arg6[%broadcast_in_dim3A_68, %parallel_loop3A_225] : memref<4x4096xf32, #tpu.memory_space<vmem>>[vector<16xi32>, vector<16xi32>], vector<16xf32>,
        %parallel_loop3A_241 = tpu.vector_load_idx %arg6[%broadcast_in_dim3A_70, %parallel_loop3A_225] : memref<4x4096xf32, #tpu.memory_space<vmem>>[vector<16xi32>, vector<16xi32>], vector<16xf32>,
        %parallel_loop3A_242 = tpu.vector_load_idx %arg6[%broadcast_in_dim3A_72, %parallel_loop3A_225] : memref<4x4096xf32, #tpu.memory_space<vmem>>[vector<16xi32>, vector<16xi32>], vector<16xf32>,
        %parallel_loop3A_243 = tpu.vector_load_idx %arg6[%broadcast_in_dim3A_74, %parallel_loop3A_225] : memref<4x4096xf32, #tpu.memory_space<vmem>>[vector<16xi32>, vector<16xi32>], vector<16xf32>,
        %parallel_loop3A_244 = tpu.vector_load_idx %arg6[%broadcast_in_dim3A_68, %parallel_loop3A_231] : memref<4x4096xf32, #tpu.memory_space<vmem>>[vector<16xi32>, vector<16xi32>], vector<16xf32>,
        %parallel_loop3A_245 = tpu.vector_load_idx %arg6[%broadcast_in_dim3A_70, %parallel_loop3A_231] : memref<4x4096xf32, #tpu.memory_space<vmem>>[vector<16xi32>, vector<16xi32>], vector<16xf32>,
        %parallel_loop3A_246 = tpu.vector_load_idx %arg6[%broadcast_in_dim3A_72, %parallel_loop3A_231] : memref<4x4096xf32, #tpu.memory_space<vmem>>[vector<16xi32>, vector<16xi32>], vector<16xf32>,
        %parallel_loop3A_247 = tpu.vector_load_idx %arg6[%broadcast_in_dim3A_74, %parallel_loop3A_231] : memref<4x4096xf32, #tpu.memory_space<vmem>>[vector<16xi32>, vector<16xi32>], vector<16xf32>,
        %parallel_loop3A_248 = arith.constant 0 : i32
        %parallel_loop3A_249 = arith.addi %parallel_loop3A_207, %parallel_loop3A_248 : i32
        %parallel_loop3A_250 = arith.constant 16 : i32
        %parallel_loop3A_251 = arith.muli %parallel_loop3A_249, %parallel_loop3A_250 : i32
        %parallel_loop3A_252 = arith.constant 0 : i32
        %parallel_loop3A_253 = arith.index_cast %parallel_loop3A_252 : i32 to index
        %parallel_loop3A_254 = arith.index_cast %parallel_loop3A_251 : i32 to index
        %parallel_loop3A_255 = tpu.vector_load %arg10[%parallel_loop3A_253, %parallel_loop3A_254] {strides = array<i32>} : memref<4x2048xf32, #tpu.memory_space<vmem>>, vector<16xf32>,
        tpu.vector_store %arg10[%parallel_loop3A_253, %parallel_loop3A_254], %parallel_loop3A_232 {strides = array<i32>} : memref<4x2048xf32, #tpu.memory_space<vmem>>, vector<16xf32>,
        %parallel_loop3A_256 = arith.constant 0 : i32
        %parallel_loop3A_257 = arith.addi %parallel_loop3A_207, %parallel_loop3A_256 : i32
        %parallel_loop3A_258 = arith.constant 16 : i32
        %parallel_loop3A_259 = arith.muli %parallel_loop3A_257, %parallel_loop3A_258 : i32
        %parallel_loop3A_260 = arith.constant 1 : i32
        %parallel_loop3A_261 = arith.index_cast %parallel_loop3A_260 : i32 to index
        %parallel_loop3A_262 = arith.index_cast %parallel_loop3A_259 : i32 to index
        %parallel_loop3A_263 = tpu.vector_load %arg10[%parallel_loop3A_261, %parallel_loop3A_262] {strides = array<i32>} : memref<4x2048xf32, #tpu.memory_space<vmem>>, vector<16xf32>,
        tpu.vector_store %arg10[%parallel_loop3A_261, %parallel_loop3A_262], %parallel_loop3A_233 {strides = array<i32>} : memref<4x2048xf32, #tpu.memory_space<vmem>>, vector<16xf32>,
        %parallel_loop3A_264 = arith.constant 0 : i32
        %parallel_loop3A_265 = arith.addi %parallel_loop3A_207, %parallel_loop3A_264 : i32
        %parallel_loop3A_266 = arith.constant 16 : i32
        %parallel_loop3A_267 = arith.muli %parallel_loop3A_265, %parallel_loop3A_266 : i32
        %parallel_loop3A_268 = arith.constant 2 : i32
        %parallel_loop3A_269 = arith.index_cast %parallel_loop3A_268 : i32 to index
        %parallel_loop3A_270 = arith.index_cast %parallel_loop3A_267 : i32 to index
        %parallel_loop3A_271 = tpu.vector_load %arg10[%parallel_loop3A_269, %parallel_loop3A_270] {strides = array<i32>} : memref<4x2048xf32, #tpu.memory_space<vmem>>, vector<16xf32>,
        tpu.vector_store %arg10[%parallel_loop3A_269, %parallel_loop3A_270], %parallel_loop3A_234 {strides = array<i32>} : memref<4x2048xf32, #tpu.memory_space<vmem>>, vector<16xf32>,
        %parallel_loop3A_272 = arith.constant 0 : i32
        %parallel_loop3A_273 = arith.addi %parallel_loop3A_207, %parallel_loop3A_272 : i32
        %parallel_loop3A_274 = arith.constant 16 : i32
        %parallel_loop3A_275 = arith.muli %parallel_loop3A_273, %parallel_loop3A_274 : i32
        %parallel_loop3A_276 = arith.constant 3 : i32
        %parallel_loop3A_277 = arith.index_cast %parallel_loop3A_276 : i32 to index
        %parallel_loop3A_278 = arith.index_cast %parallel_loop3A_275 : i32 to index
        %parallel_loop3A_279 = tpu.vector_load %arg10[%parallel_loop3A_277, %parallel_loop3A_278] {strides = array<i32>} : memref<4x2048xf32, #tpu.memory_space<vmem>>, vector<16xf32>,
        tpu.vector_store %arg10[%parallel_loop3A_277, %parallel_loop3A_278], %parallel_loop3A_235 {strides = array<i32>} : memref<4x2048xf32, #tpu.memory_space<vmem>>, vector<16xf32>,
        %parallel_loop3A_280 = arith.constant 1 : i32
        %parallel_loop3A_281 = arith.addi %parallel_loop3A_207, %parallel_loop3A_280 : i32
        %parallel_loop3A_282 = arith.constant 16 : i32
        %parallel_loop3A_283 = arith.muli %parallel_loop3A_281, %parallel_loop3A_282 : i32
        %parallel_loop3A_284 = arith.constant 0 : i32
        %parallel_loop3A_285 = arith.index_cast %parallel_loop3A_284 : i32 to index
        %parallel_loop3A_286 = arith.index_cast %parallel_loop3A_283 : i32 to index
        %parallel_loop3A_287 = tpu.vector_load %arg10[%parallel_loop3A_285, %parallel_loop3A_286] {strides = array<i32>} : memref<4x2048xf32, #tpu.memory_space<vmem>>, vector<16xf32>,
        tpu.vector_store %arg10[%parallel_loop3A_285, %parallel_loop3A_286], %parallel_loop3A_236 {strides = array<i32>} : memref<4x2048xf32, #tpu.memory_space<vmem>>, vector<16xf32>,
        %parallel_loop3A_288 = arith.constant 1 : i32
        %parallel_loop3A_289 = arith.addi %parallel_loop3A_207, %parallel_loop3A_288 : i32
        %parallel_loop3A_290 = arith.constant 16 : i32
        %parallel_loop3A_291 = arith.muli %parallel_loop3A_289, %parallel_loop3A_290 : i32
        %parallel_loop3A_292 = arith.constant 1 : i32
        %parallel_loop3A_293 = arith.index_cast %parallel_loop3A_292 : i32 to index
        %parallel_loop3A_294 = arith.index_cast %parallel_loop3A_291 : i32 to index
        %parallel_loop3A_295 = tpu.vector_load %arg10[%parallel_loop3A_293, %parallel_loop3A_294] {strides = array<i32>} : memref<4x2048xf32, #tpu.memory_space<vmem>>, vector<16xf32>,
        tpu.vector_store %arg10[%parallel_loop3A_293, %parallel_loop3A_294], %parallel_loop3A_237 {strides = array<i32>} : memref<4x2048xf32, #tpu.memory_space<vmem>>, vector<16xf32>,
        %parallel_loop3A_296 = arith.constant 1 : i32
        %parallel_loop3A_297 = arith.addi %parallel_loop3A_207, %parallel_loop3A_296 : i32
        %parallel_loop3A_298 = arith.constant 16 : i32
        %parallel_loop3A_299 = arith.muli %parallel_loop3A_297, %parallel_loop3A_298 : i32
        %parallel_loop3A_300 = arith.constant 2 : i32
        %parallel_loop3A_301 = arith.index_cast %parallel_loop3A_300 : i32 to index
        %parallel_loop3A_302 = arith.index_cast %parallel_loop3A_299 : i32 to index
        %parallel_loop3A_303 = tpu.vector_load %arg10[%parallel_loop3A_301, %parallel_loop3A_302] {strides = array<i32>} : memref<4x2048xf32, #tpu.memory_space<vmem>>, vector<16xf32>,
        tpu.vector_store %arg10[%parallel_loop3A_301, %parallel_loop3A_302], %parallel_loop3A_238 {strides = array<i32>} : memref<4x2048xf32, #tpu.memory_space<vmem>>, vector<16xf32>,
        %parallel_loop3A_304 = arith.constant 1 : i32
        %parallel_loop3A_305 = arith.addi %parallel_loop3A_207, %parallel_loop3A_304 : i32
        %parallel_loop3A_306 = arith.constant 16 : i32
        %parallel_loop3A_307 = arith.muli %parallel_loop3A_305, %parallel_loop3A_306 : i32
        %parallel_loop3A_308 = arith.constant 3 : i32
        %parallel_loop3A_309 = arith.index_cast %parallel_loop3A_308 : i32 to index
        %parallel_loop3A_310 = arith.index_cast %parallel_loop3A_307 : i32 to index
        %parallel_loop3A_311 = tpu.vector_load %arg10[%parallel_loop3A_309, %parallel_loop3A_310] {strides = array<i32>} : memref<4x2048xf32, #tpu.memory_space<vmem>>, vector<16xf32>,
        tpu.vector_store %arg10[%parallel_loop3A_309, %parallel_loop3A_310], %parallel_loop3A_239 {strides = array<i32>} : memref<4x2048xf32, #tpu.memory_space<vmem>>, vector<16xf32>,
        %parallel_loop3A_312 = arith.constant 2 : i32
        %parallel_loop3A_313 = arith.addi %parallel_loop3A_207, %parallel_loop3A_312 : i32
        %parallel_loop3A_314 = arith.constant 16 : i32
        %parallel_loop3A_315 = arith.muli %parallel_loop3A_313, %parallel_loop3A_314 : i32
        %parallel_loop3A_316 = arith.constant 0 : i32
        %parallel_loop3A_317 = arith.index_cast %parallel_loop3A_316 : i32 to index
        %parallel_loop3A_318 = arith.index_cast %parallel_loop3A_315 : i32 to index
        %parallel_loop3A_319 = tpu.vector_load %arg10[%parallel_loop3A_317, %parallel_loop3A_318] {strides = array<i32>} : memref<4x2048xf32, #tpu.memory_space<vmem>>, vector<16xf32>,
        tpu.vector_store %arg10[%parallel_loop3A_317, %parallel_loop3A_318], %parallel_loop3A_240 {strides = array<i32>} : memref<4x2048xf32, #tpu.memory_space<vmem>>, vector<16xf32>,
        %parallel_loop3A_320 = arith.constant 2 : i32
        %parallel_loop3A_321 = arith.addi %parallel_loop3A_207, %parallel_loop3A_320 : i32
        %parallel_loop3A_322 = arith.constant 16 : i32
        %parallel_loop3A_323 = arith.muli %parallel_loop3A_321, %parallel_loop3A_322 : i32
        %parallel_loop3A_324 = arith.constant 1 : i32
        %parallel_loop3A_325 = arith.index_cast %parallel_loop3A_324 : i32 to index
        %parallel_loop3A_326 = arith.index_cast %parallel_loop3A_323 : i32 to index
        %parallel_loop3A_327 = tpu.vector_load %arg10[%parallel_loop3A_325, %parallel_loop3A_326] {strides = array<i32>} : memref<4x2048xf32, #tpu.memory_space<vmem>>, vector<16xf32>,
        tpu.vector_store %arg10[%parallel_loop3A_325, %parallel_loop3A_326], %parallel_loop3A_241 {strides = array<i32>} : memref<4x2048xf32, #tpu.memory_space<vmem>>, vector<16xf32>,
        %parallel_loop3A_328 = arith.constant 2 : i32
        %parallel_loop3A_329 = arith.addi %parallel_loop3A_207, %parallel_loop3A_328 : i32
        %parallel_loop3A_330 = arith.constant 16 : i32
        %parallel_loop3A_331 = arith.muli %parallel_loop3A_329, %parallel_loop3A_330 : i32
        %parallel_loop3A_332 = arith.constant 2 : i32
        %parallel_loop3A_333 = arith.index_cast %parallel_loop3A_332 : i32 to index
        %parallel_loop3A_334 = arith.index_cast %parallel_loop3A_331 : i32 to index
        %parallel_loop3A_335 = tpu.vector_load %arg10[%parallel_loop3A_333, %parallel_loop3A_334] {strides = array<i32>} : memref<4x2048xf32, #tpu.memory_space<vmem>>, vector<16xf32>,
        tpu.vector_store %arg10[%parallel_loop3A_333, %parallel_loop3A_334], %parallel_loop3A_242 {strides = array<i32>} : memref<4x2048xf32, #tpu.memory_space<vmem>>, vector<16xf32>,
        %parallel_loop3A_336 = arith.constant 2 : i32
        %parallel_loop3A_337 = arith.addi %parallel_loop3A_207, %parallel_loop3A_336 : i32
        %parallel_loop3A_338 = arith.constant 16 : i32
        %parallel_loop3A_339 = arith.muli %parallel_loop3A_337, %parallel_loop3A_338 : i32
        %parallel_loop3A_340 = arith.constant 3 : i32
        %parallel_loop3A_341 = arith.index_cast %parallel_loop3A_340 : i32 to index
        %parallel_loop3A_342 = arith.index_cast %parallel_loop3A_339 : i32 to index
        %parallel_loop3A_343 = tpu.vector_load %arg10[%parallel_loop3A_341, %parallel_loop3A_342] {strides = array<i32>} : memref<4x2048xf32, #tpu.memory_space<vmem>>, vector<16xf32>,
        tpu.vector_store %arg10[%parallel_loop3A_341, %parallel_loop3A_342], %parallel_loop3A_243 {strides = array<i32>} : memref<4x2048xf32, #tpu.memory_space<vmem>>, vector<16xf32>,
        %parallel_loop3A_344 = arith.constant 3 : i32
        %parallel_loop3A_345 = arith.addi %parallel_loop3A_207, %parallel_loop3A_344 : i32
        %parallel_loop3A_346 = arith.constant 16 : i32
        %parallel_loop3A_347 = arith.muli %parallel_loop3A_345, %parallel_loop3A_346 : i32
        %parallel_loop3A_348 = arith.constant 0 : i32
        %parallel_loop3A_349 = arith.index_cast %parallel_loop3A_348 : i32 to index
        %parallel_loop3A_350 = arith.index_cast %parallel_loop3A_347 : i32 to index
        %parallel_loop3A_351 = tpu.vector_load %arg10[%parallel_loop3A_349, %parallel_loop3A_350] {strides = array<i32>} : memref<4x2048xf32, #tpu.memory_space<vmem>>, vector<16xf32>,
        tpu.vector_store %arg10[%parallel_loop3A_349, %parallel_loop3A_350], %parallel_loop3A_244 {strides = array<i32>} : memref<4x2048xf32, #tpu.memory_space<vmem>>, vector<16xf32>,
        %parallel_loop3A_352 = arith.constant 3 : i32
        %parallel_loop3A_353 = arith.addi %parallel_loop3A_207, %parallel_loop3A_352 : i32
        %parallel_loop3A_354 = arith.constant 16 : i32
        %parallel_loop3A_355 = arith.muli %parallel_loop3A_353, %parallel_loop3A_354 : i32
        %parallel_loop3A_356 = arith.constant 1 : i32
        %parallel_loop3A_357 = arith.index_cast %parallel_loop3A_356 : i32 to index
        %parallel_loop3A_358 = arith.index_cast %parallel_loop3A_355 : i32 to index
        %parallel_loop3A_359 = tpu.vector_load %arg10[%parallel_loop3A_357, %parallel_loop3A_358] {strides = array<i32>} : memref<4x2048xf32, #tpu.memory_space<vmem>>, vector<16xf32>,
        tpu.vector_store %arg10[%parallel_loop3A_357, %parallel_loop3A_358], %parallel_loop3A_245 {strides = array<i32>} : memref<4x2048xf32, #tpu.memory_space<vmem>>, vector<16xf32>,
        %parallel_loop3A_360 = arith.constant 3 : i32
        %parallel_loop3A_361 = arith.addi %parallel_loop3A_207, %parallel_loop3A_360 : i32
        %parallel_loop3A_362 = arith.constant 16 : i32
        %parallel_loop3A_363 = arith.muli %parallel_loop3A_361, %parallel_loop3A_362 : i32
        %parallel_loop3A_364 = arith.constant 2 : i32
        %parallel_loop3A_365 = arith.index_cast %parallel_loop3A_364 : i32 to index
        %parallel_loop3A_366 = arith.index_cast %parallel_loop3A_363 : i32 to index
        %parallel_loop3A_367 = tpu.vector_load %arg10[%parallel_loop3A_365, %parallel_loop3A_366] {strides = array<i32>} : memref<4x2048xf32, #tpu.memory_space<vmem>>, vector<16xf32>,
        tpu.vector_store %arg10[%parallel_loop3A_365, %parallel_loop3A_366], %parallel_loop3A_246 {strides = array<i32>} : memref<4x2048xf32, #tpu.memory_space<vmem>>, vector<16xf32>,
        %parallel_loop3A_368 = arith.constant 3 : i32
        %parallel_loop3A_369 = arith.addi %parallel_loop3A_207, %parallel_loop3A_368 : i32
        %parallel_loop3A_370 = arith.constant 16 : i32
        %parallel_loop3A_371 = arith.muli %parallel_loop3A_369, %parallel_loop3A_370 : i32
        %parallel_loop3A_372 = arith.constant 3 : i32
        %parallel_loop3A_373 = arith.index_cast %parallel_loop3A_372 : i32 to index
        %parallel_loop3A_374 = arith.index_cast %parallel_loop3A_371 : i32 to index
        %parallel_loop3A_375 = tpu.vector_load %arg10[%parallel_loop3A_373, %parallel_loop3A_374] {strides = array<i32>} : memref<4x2048xf32, #tpu.memory_space<vmem>>, vector<16xf32>,
        tpu.vector_store %arg10[%parallel_loop3A_373, %parallel_loop3A_374], %parallel_loop3A_247 {strides = array<i32>} : memref<4x2048xf32, #tpu.memory_space<vmem>>, vector<16xf32>,
      } {sc.loop_unroll_factor = 1 : i64, sc.parallel_access}
      %mul3A_77 = arith.constant 4 : i32
      %mul3A_78 = arith.muli %add3A_58, %mul3A_77 : i32
      %add3A_79 = arith.addi %mul3A_2, %mul3A_78 : i32
      %dma_start3A_80 = arith.constant 0 : i32
      %dma_start3A_81 = tpu.memref_slice %arg4[%add3A_79, %dma_start3A_80] : memref<8192x2048xf32, #tpu.memory_space<hbm>> -> memref<4x2048xf32, #tpu.memory_space<hbm>>
      %dma_start3A_82 = arith.constant 0 : i32
      %dma_start3A_83 = tpu.memref_slice %arg4[%add3A_79, %dma_start3A_82] : memref<8192x2048xf32, #tpu.memory_space<hbm>> -> memref<4x2048xf32, #tpu.memory_space<hbm>>
      tpu.enqueue_dma source(%arg10 : memref<4x2048xf32, #tpu.memory_space<vmem>>) target(%dma_start3A_83 : memref<4x2048xf32, #tpu.memory_space<hbm>>) target_semaphore(%arg18 : memref<!tpu.dma_semaphore, #tpu.memory_space<semaphore_mem>>)
      %lt3A = arith.constant 15 : i32
      %lt3A_84 = arith.cmpi slt, %scan3A_54, %lt3A : i32
      %convert_element_type3A_85 = arith.extui %lt3A_84 : i1 to i32
      %cond3A_86 = arith.constant 0 : i32
      %cond3A_87 = arith.cmpi ne, %convert_element_type3A_85, %cond3A_86 : i32
      scf.if %cond3A_87 {
        %add3A_205 = arith.constant 4 : i32
        %add3A_206 = arith.addi %add3A_58, %add3A_205 : i32
        %mul3A_207 = arith.constant 4 : i32
        %mul3A_208 = arith.muli %add3A_206, %mul3A_207 : i32
        %add3A_209 = arith.addi %mul3A_2, %mul3A_208 : i32
        %dma_start3A_210 = arith.constant 0 : i32
        %dma_start3A_211 = tpu.memref_slice %arg2[%add3A_209, %dma_start3A_210] : memref<8192x4096xf32, #tpu.memory_space<hbm>> -> memref<4x4096xf32, #tpu.memory_space<hbm>>
        %dma_start3A_212 = arith.constant 0 : i32
        %dma_start3A_213 = tpu.memref_slice %arg2[%add3A_209, %dma_start3A_212] : memref<8192x4096xf32, #tpu.memory_space<hbm>> -> memref<4x4096xf32, #tpu.memory_space<hbm>>
        tpu.enqueue_dma source(%dma_start3A_213 : memref<4x4096xf32, #tpu.memory_space<hbm>>) target(%arg6 : memref<4x4096xf32, #tpu.memory_space<vmem>>) target_semaphore(%arg14 : memref<!tpu.dma_semaphore, #tpu.memory_space<semaphore_mem>>)
      } else {
      }
      %mul3A_88 = arith.constant 4 : i32
      %mul3A_89 = arith.muli %scan3A_54, %mul3A_88 : i32
      %add3A_90 = arith.constant 1 : i32
      %add3A_91 = arith.addi %mul3A_89, %add3A_90 : i32
      %mul3A_92 = arith.constant 4 : i32
      %mul3A_93 = arith.muli %add3A_91, %mul3A_92 : i32
      %add3A_94 = arith.addi %mul3A_2, %mul3A_93 : i32
      %dma_wait3A_95 = arith.constant 0 : i32
      %dma_wait3A_96 = tpu.memref_slice %arg2[%add3A_94, %dma_wait3A_95] : memref<8192x4096xf32, #tpu.memory_space<hbm>> -> memref<4x4096xf32, #tpu.memory_space<hbm>>
      %dma_wait3A_97 = arith.constant 0 : i32
      %dma_wait3A_98 = tpu.memref_slice %arg2[%add3A_94, %dma_wait3A_97] : memref<8192x4096xf32, #tpu.memory_space<hbm>> -> memref<4x4096xf32, #tpu.memory_space<hbm>>
      tpu.wait_dma2 semaphore(%arg15 : memref<!tpu.dma_semaphore, #tpu.memory_space<semaphore_mem>>) src(%dma_wait3A_98 : memref<4x4096xf32, #tpu.memory_space<hbm>>) dst(%arg7 : memref<4x4096xf32, #tpu.memory_space<vmem>>)
      %gt3A_99 = arith.constant 0 : i32
      %gt3A_100 = arith.cmpi sgt, %scan3A_54, %gt3A_99 : i32
      %convert_element_type3A_101 = arith.extui %gt3A_100 : i1 to i32
      %cond3A_102 = arith.constant 0 : i32
      %cond3A_103 = arith.cmpi ne, %convert_element_type3A_101, %cond3A_102 : i32
      scf.if %cond3A_103 {
        %sub3A = arith.constant 4 : i32
        %sub3A_205 = arith.subi %add3A_91, %sub3A : i32
        %mul3A_206 = arith.constant 4 : i32
        %mul3A_207 = arith.muli %sub3A_205, %mul3A_206 : i32
        %add3A_208 = arith.addi %mul3A_2, %mul3A_207 : i32
        %dma_wait3A_209 = arith.constant 0 : i32
        %dma_wait3A_210 = tpu.memref_slice %arg4[%add3A_208, %dma_wait3A_209] : memref<8192x2048xf32, #tpu.memory_space<hbm>> -> memref<4x2048xf32, #tpu.memory_space<hbm>>
        %dma_wait3A_211 = arith.constant 0 : i32
        %dma_wait3A_212 = tpu.memref_slice %arg4[%add3A_208, %dma_wait3A_211] : memref<8192x2048xf32, #tpu.memory_space<hbm>> -> memref<4x2048xf32, #tpu.memory_space<hbm>>
        tpu.wait_dma2 semaphore(%arg19 : memref<!tpu.dma_semaphore, #tpu.memory_space<semaphore_mem>>) src(%arg11 : memref<4x2048xf32, #tpu.memory_space<vmem>>) dst(%dma_wait3A_212 : memref<4x2048xf32, #tpu.memory_space<hbm>>)
      } else {
      }
      %broadcast_in_dim3A_104 = arith.constant 0 : i32
      %broadcast_in_dim3A_105 = vector.broadcast %broadcast_in_dim3A_104 : i32 to vector<16xi32>
      %broadcast_in_dim3A_106 = arith.constant 1 : i32
      %broadcast_in_dim3A_107 = vector.broadcast %broadcast_in_dim3A_106 : i32 to vector<16xi32>
      %broadcast_in_dim3A_108 = arith.constant 2 : i32
      %broadcast_in_dim3A_109 = vector.broadcast %broadcast_in_dim3A_108 : i32 to vector<16xi32>
      %broadcast_in_dim3A_110 = arith.constant 3 : i32
      %broadcast_in_dim3A_111 = vector.broadcast %broadcast_in_dim3A_110 : i32 to vector<16xi32>
      %parallel_loop3A_112 = arith.constant 0 : i32
      %parallel_loop3A_113 = arith.constant 32 : i32
      %parallel_loop3A_114 = arith.constant 1 : i32
      scf.for %parallel_loop3A_205 = %parallel_loop3A_112 to %parallel_loop3A_113 step %parallel_loop3A_114  : i32 {
        %parallel_loop3A_206 = arith.constant 4 : i32
        %parallel_loop3A_207 = arith.muli %parallel_loop3A_205, %parallel_loop3A_206 : i32
        %parallel_loop3A_208 = arith.constant 0 : i32
        %parallel_loop3A_209 = arith.addi %parallel_loop3A_207, %parallel_loop3A_208 : i32
        %parallel_loop3A_210 = arith.constant 16 : i32
        %parallel_loop3A_211 = arith.muli %parallel_loop3A_209, %parallel_loop3A_210 : i32
        %parallel_loop3A_212 = arith.index_cast %parallel_loop3A_211 : i32 to index
        %parallel_loop3A_213 = tpu.vector_load %arg5[%parallel_loop3A_212] {strides = array<i32>} : memref<2048xi32, #tpu.memory_space<vmem>>, vector<16xi32>,
        %parallel_loop3A_214 = arith.constant 1 : i32
        %parallel_loop3A_215 = arith.addi %parallel_loop3A_207, %parallel_loop3A_214 : i32
        %parallel_loop3A_216 = arith.constant 16 : i32
        %parallel_loop3A_217 = arith.muli %parallel_loop3A_215, %parallel_loop3A_216 : i32
        %parallel_loop3A_218 = arith.index_cast %parallel_loop3A_217 : i32 to index
        %parallel_loop3A_219 = tpu.vector_load %arg5[%parallel_loop3A_218] {strides = array<i32>} : memref<2048xi32, #tpu.memory_space<vmem>>, vector<16xi32>,
        %parallel_loop3A_220 = arith.constant 2 : i32
        %parallel_loop3A_221 = arith.addi %parallel_loop3A_207, %parallel_loop3A_220 : i32
        %parallel_loop3A_222 = arith.constant 16 : i32
        %parallel_loop3A_223 = arith.muli %parallel_loop3A_221, %parallel_loop3A_222 : i32
        %parallel_loop3A_224 = arith.index_cast %parallel_loop3A_223 : i32 to index
        %parallel_loop3A_225 = tpu.vector_load %arg5[%parallel_loop3A_224] {strides = array<i32>} : memref<2048xi32, #tpu.memory_space<vmem>>, vector<16xi32>,
        %parallel_loop3A_226 = arith.constant 3 : i32
        %parallel_loop3A_227 = arith.addi %parallel_loop3A_207, %parallel_loop3A_226 : i32
        %parallel_loop3A_228 = arith.constant 16 : i32
        %parallel_loop3A_229 = arith.muli %parallel_loop3A_227, %parallel_loop3A_228 : i32
        %parallel_loop3A_230 = arith.index_cast %parallel_loop3A_229 : i32 to index
        %parallel_loop3A_231 = tpu.vector_load %arg5[%parallel_loop3A_230] {strides = array<i32>} : memref<2048xi32, #tpu.memory_space<vmem>>, vector<16xi32>,
        %parallel_loop3A_232 = tpu.vector_load_idx %arg7[%broadcast_in_dim3A_105, %parallel_loop3A_213] : memref<4x4096xf32, #tpu.memory_space<vmem>>[vector<16xi32>, vector<16xi32>], vector<16xf32>,
        %parallel_loop3A_233 = tpu.vector_load_idx %arg7[%broadcast_in_dim3A_107, %parallel_loop3A_213] : memref<4x4096xf32, #tpu.memory_space<vmem>>[vector<16xi32>, vector<16xi32>], vector<16xf32>,
        %parallel_loop3A_234 = tpu.vector_load_idx %arg7[%broadcast_in_dim3A_109, %parallel_loop3A_213] : memref<4x4096xf32, #tpu.memory_space<vmem>>[vector<16xi32>, vector<16xi32>], vector<16xf32>,
        %parallel_loop3A_235 = tpu.vector_load_idx %arg7[%broadcast_in_dim3A_111, %parallel_loop3A_213] : memref<4x4096xf32, #tpu.memory_space<vmem>>[vector<16xi32>, vector<16xi32>], vector<16xf32>,
        %parallel_loop3A_236 = tpu.vector_load_idx %arg7[%broadcast_in_dim3A_105, %parallel_loop3A_219] : memref<4x4096xf32, #tpu.memory_space<vmem>>[vector<16xi32>, vector<16xi32>], vector<16xf32>,
        %parallel_loop3A_237 = tpu.vector_load_idx %arg7[%broadcast_in_dim3A_107, %parallel_loop3A_219] : memref<4x4096xf32, #tpu.memory_space<vmem>>[vector<16xi32>, vector<16xi32>], vector<16xf32>,
        %parallel_loop3A_238 = tpu.vector_load_idx %arg7[%broadcast_in_dim3A_109, %parallel_loop3A_219] : memref<4x4096xf32, #tpu.memory_space<vmem>>[vector<16xi32>, vector<16xi32>], vector<16xf32>,
        %parallel_loop3A_239 = tpu.vector_load_idx %arg7[%broadcast_in_dim3A_111, %parallel_loop3A_219] : memref<4x4096xf32, #tpu.memory_space<vmem>>[vector<16xi32>, vector<16xi32>], vector<16xf32>,
        %parallel_loop3A_240 = tpu.vector_load_idx %arg7[%broadcast_in_dim3A_105, %parallel_loop3A_225] : memref<4x4096xf32, #tpu.memory_space<vmem>>[vector<16xi32>, vector<16xi32>], vector<16xf32>,
        %parallel_loop3A_241 = tpu.vector_load_idx %arg7[%broadcast_in_dim3A_107, %parallel_loop3A_225] : memref<4x4096xf32, #tpu.memory_space<vmem>>[vector<16xi32>, vector<16xi32>], vector<16xf32>,
        %parallel_loop3A_242 = tpu.vector_load_idx %arg7[%broadcast_in_dim3A_109, %parallel_loop3A_225] : memref<4x4096xf32, #tpu.memory_space<vmem>>[vector<16xi32>, vector<16xi32>], vector<16xf32>,
        %parallel_loop3A_243 = tpu.vector_load_idx %arg7[%broadcast_in_dim3A_111, %parallel_loop3A_225] : memref<4x4096xf32, #tpu.memory_space<vmem>>[vector<16xi32>, vector<16xi32>], vector<16xf32>,
        %parallel_loop3A_244 = tpu.vector_load_idx %arg7[%broadcast_in_dim3A_105, %parallel_loop3A_231] : memref<4x4096xf32, #tpu.memory_space<vmem>>[vector<16xi32>, vector<16xi32>], vector<16xf32>,
        %parallel_loop3A_245 = tpu.vector_load_idx %arg7[%broadcast_in_dim3A_107, %parallel_loop3A_231] : memref<4x4096xf32, #tpu.memory_space<vmem>>[vector<16xi32>, vector<16xi32>], vector<16xf32>,
        %parallel_loop3A_246 = tpu.vector_load_idx %arg7[%broadcast_in_dim3A_109, %parallel_loop3A_231] : memref<4x4096xf32, #tpu.memory_space<vmem>>[vector<16xi32>, vector<16xi32>], vector<16xf32>,
        %parallel_loop3A_247 = tpu.vector_load_idx %arg7[%broadcast_in_dim3A_111, %parallel_loop3A_231] : memref<4x4096xf32, #tpu.memory_space<vmem>>[vector<16xi32>, vector<16xi32>], vector<16xf32>,
        %parallel_loop3A_248 = arith.constant 0 : i32
        %parallel_loop3A_249 = arith.addi %parallel_loop3A_207, %parallel_loop3A_248 : i32
        %parallel_loop3A_250 = arith.constant 16 : i32
        %parallel_loop3A_251 = arith.muli %parallel_loop3A_249, %parallel_loop3A_250 : i32
        %parallel_loop3A_252 = arith.constant 0 : i32
        %parallel_loop3A_253 = arith.index_cast %parallel_loop3A_252 : i32 to index
        %parallel_loop3A_254 = arith.index_cast %parallel_loop3A_251 : i32 to index
        %parallel_loop3A_255 = tpu.vector_load %arg11[%parallel_loop3A_253, %parallel_loop3A_254] {strides = array<i32>} : memref<4x2048xf32, #tpu.memory_space<vmem>>, vector<16xf32>,
        tpu.vector_store %arg11[%parallel_loop3A_253, %parallel_loop3A_254], %parallel_loop3A_232 {strides = array<i32>} : memref<4x2048xf32, #tpu.memory_space<vmem>>, vector<16xf32>,
        %parallel_loop3A_256 = arith.constant 0 : i32
        %parallel_loop3A_257 = arith.addi %parallel_loop3A_207, %parallel_loop3A_256 : i32
        %parallel_loop3A_258 = arith.constant 16 : i32
        %parallel_loop3A_259 = arith.muli %parallel_loop3A_257, %parallel_loop3A_258 : i32
        %parallel_loop3A_260 = arith.constant 1 : i32
        %parallel_loop3A_261 = arith.index_cast %parallel_loop3A_260 : i32 to index
        %parallel_loop3A_262 = arith.index_cast %parallel_loop3A_259 : i32 to index
        %parallel_loop3A_263 = tpu.vector_load %arg11[%parallel_loop3A_261, %parallel_loop3A_262] {strides = array<i32>} : memref<4x2048xf32, #tpu.memory_space<vmem>>, vector<16xf32>,
        tpu.vector_store %arg11[%parallel_loop3A_261, %parallel_loop3A_262], %parallel_loop3A_233 {strides = array<i32>} : memref<4x2048xf32, #tpu.memory_space<vmem>>, vector<16xf32>,
        %parallel_loop3A_264 = arith.constant 0 : i32
        %parallel_loop3A_265 = arith.addi %parallel_loop3A_207, %parallel_loop3A_264 : i32
        %parallel_loop3A_266 = arith.constant 16 : i32
        %parallel_loop3A_267 = arith.muli %parallel_loop3A_265, %parallel_loop3A_266 : i32
        %parallel_loop3A_268 = arith.constant 2 : i32
        %parallel_loop3A_269 = arith.index_cast %parallel_loop3A_268 : i32 to index
        %parallel_loop3A_270 = arith.index_cast %parallel_loop3A_267 : i32 to index
        %parallel_loop3A_271 = tpu.vector_load %arg11[%parallel_loop3A_269, %parallel_loop3A_270] {strides = array<i32>} : memref<4x2048xf32, #tpu.memory_space<vmem>>, vector<16xf32>,
        tpu.vector_store %arg11[%parallel_loop3A_269, %parallel_loop3A_270], %parallel_loop3A_234 {strides = array<i32>} : memref<4x2048xf32, #tpu.memory_space<vmem>>, vector<16xf32>,
        %parallel_loop3A_272 = arith.constant 0 : i32
        %parallel_loop3A_273 = arith.addi %parallel_loop3A_207, %parallel_loop3A_272 : i32
        %parallel_loop3A_274 = arith.constant 16 : i32
        %parallel_loop3A_275 = arith.muli %parallel_loop3A_273, %parallel_loop3A_274 : i32
        %parallel_loop3A_276 = arith.constant 3 : i32
        %parallel_loop3A_277 = arith.index_cast %parallel_loop3A_276 : i32 to index
        %parallel_loop3A_278 = arith.index_cast %parallel_loop3A_275 : i32 to index
        %parallel_loop3A_279 = tpu.vector_load %arg11[%parallel_loop3A_277, %parallel_loop3A_278] {strides = array<i32>} : memref<4x2048xf32, #tpu.memory_space<vmem>>, vector<16xf32>,
        tpu.vector_store %arg11[%parallel_loop3A_277, %parallel_loop3A_278], %parallel_loop3A_235 {strides = array<i32>} : memref<4x2048xf32, #tpu.memory_space<vmem>>, vector<16xf32>,
        %parallel_loop3A_280 = arith.constant 1 : i32
        %parallel_loop3A_281 = arith.addi %parallel_loop3A_207, %parallel_loop3A_280 : i32
        %parallel_loop3A_282 = arith.constant 16 : i32
        %parallel_loop3A_283 = arith.muli %parallel_loop3A_281, %parallel_loop3A_282 : i32
        %parallel_loop3A_284 = arith.constant 0 : i32
        %parallel_loop3A_285 = arith.index_cast %parallel_loop3A_284 : i32 to index
        %parallel_loop3A_286 = arith.index_cast %parallel_loop3A_283 : i32 to index
        %parallel_loop3A_287 = tpu.vector_load %arg11[%parallel_loop3A_285, %parallel_loop3A_286] {strides = array<i32>} : memref<4x2048xf32, #tpu.memory_space<vmem>>, vector<16xf32>,
        tpu.vector_store %arg11[%parallel_loop3A_285, %parallel_loop3A_286], %parallel_loop3A_236 {strides = array<i32>} : memref<4x2048xf32, #tpu.memory_space<vmem>>, vector<16xf32>,
        %parallel_loop3A_288 = arith.constant 1 : i32
        %parallel_loop3A_289 = arith.addi %parallel_loop3A_207, %parallel_loop3A_288 : i32
        %parallel_loop3A_290 = arith.constant 16 : i32
        %parallel_loop3A_291 = arith.muli %parallel_loop3A_289, %parallel_loop3A_290 : i32
        %parallel_loop3A_292 = arith.constant 1 : i32
        %parallel_loop3A_293 = arith.index_cast %parallel_loop3A_292 : i32 to index
        %parallel_loop3A_294 = arith.index_cast %parallel_loop3A_291 : i32 to index
        %parallel_loop3A_295 = tpu.vector_load %arg11[%parallel_loop3A_293, %parallel_loop3A_294] {strides = array<i32>} : memref<4x2048xf32, #tpu.memory_space<vmem>>, vector<16xf32>,
        tpu.vector_store %arg11[%parallel_loop3A_293, %parallel_loop3A_294], %parallel_loop3A_237 {strides = array<i32>} : memref<4x2048xf32, #tpu.memory_space<vmem>>, vector<16xf32>,
        %parallel_loop3A_296 = arith.constant 1 : i32
        %parallel_loop3A_297 = arith.addi %parallel_loop3A_207, %parallel_loop3A_296 : i32
        %parallel_loop3A_298 = arith.constant 16 : i32
        %parallel_loop3A_299 = arith.muli %parallel_loop3A_297, %parallel_loop3A_298 : i32
        %parallel_loop3A_300 = arith.constant 2 : i32
        %parallel_loop3A_301 = arith.index_cast %parallel_loop3A_300 : i32 to index
        %parallel_loop3A_302 = arith.index_cast %parallel_loop3A_299 : i32 to index
        %parallel_loop3A_303 = tpu.vector_load %arg11[%parallel_loop3A_301, %parallel_loop3A_302] {strides = array<i32>} : memref<4x2048xf32, #tpu.memory_space<vmem>>, vector<16xf32>,
        tpu.vector_store %arg11[%parallel_loop3A_301, %parallel_loop3A_302], %parallel_loop3A_238 {strides = array<i32>} : memref<4x2048xf32, #tpu.memory_space<vmem>>, vector<16xf32>,
        %parallel_loop3A_304 = arith.constant 1 : i32
        %parallel_loop3A_305 = arith.addi %parallel_loop3A_207, %parallel_loop3A_304 : i32
        %parallel_loop3A_306 = arith.constant 16 : i32
        %parallel_loop3A_307 = arith.muli %parallel_loop3A_305, %parallel_loop3A_306 : i32
        %parallel_loop3A_308 = arith.constant 3 : i32
        %parallel_loop3A_309 = arith.index_cast %parallel_loop3A_308 : i32 to index
        %parallel_loop3A_310 = arith.index_cast %parallel_loop3A_307 : i32 to index
        %parallel_loop3A_311 = tpu.vector_load %arg11[%parallel_loop3A_309, %parallel_loop3A_310] {strides = array<i32>} : memref<4x2048xf32, #tpu.memory_space<vmem>>, vector<16xf32>,
        tpu.vector_store %arg11[%parallel_loop3A_309, %parallel_loop3A_310], %parallel_loop3A_239 {strides = array<i32>} : memref<4x2048xf32, #tpu.memory_space<vmem>>, vector<16xf32>,
        %parallel_loop3A_312 = arith.constant 2 : i32
        %parallel_loop3A_313 = arith.addi %parallel_loop3A_207, %parallel_loop3A_312 : i32
        %parallel_loop3A_314 = arith.constant 16 : i32
        %parallel_loop3A_315 = arith.muli %parallel_loop3A_313, %parallel_loop3A_314 : i32
        %parallel_loop3A_316 = arith.constant 0 : i32
        %parallel_loop3A_317 = arith.index_cast %parallel_loop3A_316 : i32 to index
        %parallel_loop3A_318 = arith.index_cast %parallel_loop3A_315 : i32 to index
        %parallel_loop3A_319 = tpu.vector_load %arg11[%parallel_loop3A_317, %parallel_loop3A_318] {strides = array<i32>} : memref<4x2048xf32, #tpu.memory_space<vmem>>, vector<16xf32>,
        tpu.vector_store %arg11[%parallel_loop3A_317, %parallel_loop3A_318], %parallel_loop3A_240 {strides = array<i32>} : memref<4x2048xf32, #tpu.memory_space<vmem>>, vector<16xf32>,
        %parallel_loop3A_320 = arith.constant 2 : i32
        %parallel_loop3A_321 = arith.addi %parallel_loop3A_207, %parallel_loop3A_320 : i32
        %parallel_loop3A_322 = arith.constant 16 : i32
        %parallel_loop3A_323 = arith.muli %parallel_loop3A_321, %parallel_loop3A_322 : i32
        %parallel_loop3A_324 = arith.constant 1 : i32
        %parallel_loop3A_325 = arith.index_cast %parallel_loop3A_324 : i32 to index
        %parallel_loop3A_326 = arith.index_cast %parallel_loop3A_323 : i32 to index
        %parallel_loop3A_327 = tpu.vector_load %arg11[%parallel_loop3A_325, %parallel_loop3A_326] {strides = array<i32>} : memref<4x2048xf32, #tpu.memory_space<vmem>>, vector<16xf32>,
        tpu.vector_store %arg11[%parallel_loop3A_325, %parallel_loop3A_326], %parallel_loop3A_241 {strides = array<i32>} : memref<4x2048xf32, #tpu.memory_space<vmem>>, vector<16xf32>,
        %parallel_loop3A_328 = arith.constant 2 : i32
        %parallel_loop3A_329 = arith.addi %parallel_loop3A_207, %parallel_loop3A_328 : i32
        %parallel_loop3A_330 = arith.constant 16 : i32
        %parallel_loop3A_331 = arith.muli %parallel_loop3A_329, %parallel_loop3A_330 : i32
        %parallel_loop3A_332 = arith.constant 2 : i32
        %parallel_loop3A_333 = arith.index_cast %parallel_loop3A_332 : i32 to index
        %parallel_loop3A_334 = arith.index_cast %parallel_loop3A_331 : i32 to index
        %parallel_loop3A_335 = tpu.vector_load %arg11[%parallel_loop3A_333, %parallel_loop3A_334] {strides = array<i32>} : memref<4x2048xf32, #tpu.memory_space<vmem>>, vector<16xf32>,
        tpu.vector_store %arg11[%parallel_loop3A_333, %parallel_loop3A_334], %parallel_loop3A_242 {strides = array<i32>} : memref<4x2048xf32, #tpu.memory_space<vmem>>, vector<16xf32>,
        %parallel_loop3A_336 = arith.constant 2 : i32
        %parallel_loop3A_337 = arith.addi %parallel_loop3A_207, %parallel_loop3A_336 : i32
        %parallel_loop3A_338 = arith.constant 16 : i32
        %parallel_loop3A_339 = arith.muli %parallel_loop3A_337, %parallel_loop3A_338 : i32
        %parallel_loop3A_340 = arith.constant 3 : i32
        %parallel_loop3A_341 = arith.index_cast %parallel_loop3A_340 : i32 to index
        %parallel_loop3A_342 = arith.index_cast %parallel_loop3A_339 : i32 to index
        %parallel_loop3A_343 = tpu.vector_load %arg11[%parallel_loop3A_341, %parallel_loop3A_342] {strides = array<i32>} : memref<4x2048xf32, #tpu.memory_space<vmem>>, vector<16xf32>,
        tpu.vector_store %arg11[%parallel_loop3A_341, %parallel_loop3A_342], %parallel_loop3A_243 {strides = array<i32>} : memref<4x2048xf32, #tpu.memory_space<vmem>>, vector<16xf32>,
        %parallel_loop3A_344 = arith.constant 3 : i32
        %parallel_loop3A_345 = arith.addi %parallel_loop3A_207, %parallel_loop3A_344 : i32
        %parallel_loop3A_346 = arith.constant 16 : i32
        %parallel_loop3A_347 = arith.muli %parallel_loop3A_345, %parallel_loop3A_346 : i32
        %parallel_loop3A_348 = arith.constant 0 : i32
        %parallel_loop3A_349 = arith.index_cast %parallel_loop3A_348 : i32 to index
        %parallel_loop3A_350 = arith.index_cast %parallel_loop3A_347 : i32 to index
        %parallel_loop3A_351 = tpu.vector_load %arg11[%parallel_loop3A_349, %parallel_loop3A_350] {strides = array<i32>} : memref<4x2048xf32, #tpu.memory_space<vmem>>, vector<16xf32>,
        tpu.vector_store %arg11[%parallel_loop3A_349, %parallel_loop3A_350], %parallel_loop3A_244 {strides = array<i32>} : memref<4x2048xf32, #tpu.memory_space<vmem>>, vector<16xf32>,
        %parallel_loop3A_352 = arith.constant 3 : i32
        %parallel_loop3A_353 = arith.addi %parallel_loop3A_207, %parallel_loop3A_352 : i32
        %parallel_loop3A_354 = arith.constant 16 : i32
        %parallel_loop3A_355 = arith.muli %parallel_loop3A_353, %parallel_loop3A_354 : i32
        %parallel_loop3A_356 = arith.constant 1 : i32
        %parallel_loop3A_357 = arith.index_cast %parallel_loop3A_356 : i32 to index
        %parallel_loop3A_358 = arith.index_cast %parallel_loop3A_355 : i32 to index
        %parallel_loop3A_359 = tpu.vector_load %arg11[%parallel_loop3A_357, %parallel_loop3A_358] {strides = array<i32>} : memref<4x2048xf32, #tpu.memory_space<vmem>>, vector<16xf32>,
        tpu.vector_store %arg11[%parallel_loop3A_357, %parallel_loop3A_358], %parallel_loop3A_245 {strides = array<i32>} : memref<4x2048xf32, #tpu.memory_space<vmem>>, vector<16xf32>,
        %parallel_loop3A_360 = arith.constant 3 : i32
        %parallel_loop3A_361 = arith.addi %parallel_loop3A_207, %parallel_loop3A_360 : i32
        %parallel_loop3A_362 = arith.constant 16 : i32
        %parallel_loop3A_363 = arith.muli %parallel_loop3A_361, %parallel_loop3A_362 : i32
        %parallel_loop3A_364 = arith.constant 2 : i32
        %parallel_loop3A_365 = arith.index_cast %parallel_loop3A_364 : i32 to index
        %parallel_loop3A_366 = arith.index_cast %parallel_loop3A_363 : i32 to index
        %parallel_loop3A_367 = tpu.vector_load %arg11[%parallel_loop3A_365, %parallel_loop3A_366] {strides = array<i32>} : memref<4x2048xf32, #tpu.memory_space<vmem>>, vector<16xf32>,
        tpu.vector_store %arg11[%parallel_loop3A_365, %parallel_loop3A_366], %parallel_loop3A_246 {strides = array<i32>} : memref<4x2048xf32, #tpu.memory_space<vmem>>, vector<16xf32>,
        %parallel_loop3A_368 = arith.constant 3 : i32
        %parallel_loop3A_369 = arith.addi %parallel_loop3A_207, %parallel_loop3A_368 : i32
        %parallel_loop3A_370 = arith.constant 16 : i32
        %parallel_loop3A_371 = arith.muli %parallel_loop3A_369, %parallel_loop3A_370 : i32
        %parallel_loop3A_372 = arith.constant 3 : i32
        %parallel_loop3A_373 = arith.index_cast %parallel_loop3A_372 : i32 to index
        %parallel_loop3A_374 = arith.index_cast %parallel_loop3A_371 : i32 to index
        %parallel_loop3A_375 = tpu.vector_load %arg11[%parallel_loop3A_373, %parallel_loop3A_374] {strides = array<i32>} : memref<4x2048xf32, #tpu.memory_space<vmem>>, vector<16xf32>,
        tpu.vector_store %arg11[%parallel_loop3A_373, %parallel_loop3A_374], %parallel_loop3A_247 {strides = array<i32>} : memref<4x2048xf32, #tpu.memory_space<vmem>>, vector<16xf32>,
      } {sc.loop_unroll_factor = 1 : i64, sc.parallel_access}
      %mul3A_115 = arith.constant 4 : i32
      %mul3A_116 = arith.muli %add3A_91, %mul3A_115 : i32
      %add3A_117 = arith.addi %mul3A_2, %mul3A_116 : i32
      %dma_start3A_118 = arith.constant 0 : i32
      %dma_start3A_119 = tpu.memref_slice %arg4[%add3A_117, %dma_start3A_118] : memref<8192x2048xf32, #tpu.memory_space<hbm>> -> memref<4x2048xf32, #tpu.memory_space<hbm>>
      %dma_start3A_120 = arith.constant 0 : i32
      %dma_start3A_121 = tpu.memref_slice %arg4[%add3A_117, %dma_start3A_120] : memref<8192x2048xf32, #tpu.memory_space<hbm>> -> memref<4x2048xf32, #tpu.memory_space<hbm>>
      tpu.enqueue_dma source(%arg11 : memref<4x2048xf32, #tpu.memory_space<vmem>>) target(%dma_start3A_121 : memref<4x2048xf32, #tpu.memory_space<hbm>>) target_semaphore(%arg19 : memref<!tpu.dma_semaphore, #tpu.memory_space<semaphore_mem>>)
      %lt3A_122 = arith.constant 15 : i32
      %lt3A_123 = arith.cmpi slt, %scan3A_54, %lt3A_122 : i32
      %convert_element_type3A_124 = arith.extui %lt3A_123 : i1 to i32
      %cond3A_125 = arith.constant 0 : i32
      %cond3A_126 = arith.cmpi ne, %convert_element_type3A_124, %cond3A_125 : i32
      scf.if %cond3A_126 {
        %add3A_205 = arith.constant 4 : i32
        %add3A_206 = arith.addi %add3A_91, %add3A_205 : i32
        %mul3A_207 = arith.constant 4 : i32
        %mul3A_208 = arith.muli %add3A_206, %mul3A_207 : i32
        %add3A_209 = arith.addi %mul3A_2, %mul3A_208 : i32
        %dma_start3A_210 = arith.constant 0 : i32
        %dma_start3A_211 = tpu.memref_slice %arg2[%add3A_209, %dma_start3A_210] : memref<8192x4096xf32, #tpu.memory_space<hbm>> -> memref<4x4096xf32, #tpu.memory_space<hbm>>
        %dma_start3A_212 = arith.constant 0 : i32
        %dma_start3A_213 = tpu.memref_slice %arg2[%add3A_209, %dma_start3A_212] : memref<8192x4096xf32, #tpu.memory_space<hbm>> -> memref<4x4096xf32, #tpu.memory_space<hbm>>
        tpu.enqueue_dma source(%dma_start3A_213 : memref<4x4096xf32, #tpu.memory_space<hbm>>) target(%arg7 : memref<4x4096xf32, #tpu.memory_space<vmem>>) target_semaphore(%arg15 : memref<!tpu.dma_semaphore, #tpu.memory_space<semaphore_mem>>)
      } else {
      }
      %mul3A_127 = arith.constant 4 : i32
      %mul3A_128 = arith.muli %scan3A_54, %mul3A_127 : i32
      %add3A_129 = arith.constant 2 : i32
      %add3A_130 = arith.addi %mul3A_128, %add3A_129 : i32
      %mul3A_131 = arith.constant 4 : i32
      %mul3A_132 = arith.muli %add3A_130, %mul3A_131 : i32
      %add3A_133 = arith.addi %mul3A_2, %mul3A_132 : i32
      %dma_wait3A_134 = arith.constant 0 : i32
      %dma_wait3A_135 = tpu.memref_slice %arg2[%add3A_133, %dma_wait3A_134] : memref<8192x4096xf32, #tpu.memory_space<hbm>> -> memref<4x4096xf32, #tpu.memory_space<hbm>>
      %dma_wait3A_136 = arith.constant 0 : i32
      %dma_wait3A_137 = tpu.memref_slice %arg2[%add3A_133, %dma_wait3A_136] : memref<8192x4096xf32, #tpu.memory_space<hbm>> -> memref<4x4096xf32, #tpu.memory_space<hbm>>
      tpu.wait_dma2 semaphore(%arg16 : memref<!tpu.dma_semaphore, #tpu.memory_space<semaphore_mem>>) src(%dma_wait3A_137 : memref<4x4096xf32, #tpu.memory_space<hbm>>) dst(%arg8 : memref<4x4096xf32, #tpu.memory_space<vmem>>)
      %gt3A_138 = arith.constant 0 : i32
      %gt3A_139 = arith.cmpi sgt, %scan3A_54, %gt3A_138 : i32
      %convert_element_type3A_140 = arith.extui %gt3A_139 : i1 to i32
      %cond3A_141 = arith.constant 0 : i32
      %cond3A_142 = arith.cmpi ne, %convert_element_type3A_140, %cond3A_141 : i32
      scf.if %cond3A_142 {
        %sub3A = arith.constant 4 : i32
        %sub3A_205 = arith.subi %add3A_130, %sub3A : i32
        %mul3A_206 = arith.constant 4 : i32
        %mul3A_207 = arith.muli %sub3A_205, %mul3A_206 : i32
        %add3A_208 = arith.addi %mul3A_2, %mul3A_207 : i32
        %dma_wait3A_209 = arith.constant 0 : i32
        %dma_wait3A_210 = tpu.memref_slice %arg4[%add3A_208, %dma_wait3A_209] : memref<8192x2048xf32, #tpu.memory_space<hbm>> -> memref<4x2048xf32, #tpu.memory_space<hbm>>
        %dma_wait3A_211 = arith.constant 0 : i32
        %dma_wait3A_212 = tpu.memref_slice %arg4[%add3A_208, %dma_wait3A_211] : memref<8192x2048xf32, #tpu.memory_space<hbm>> -> memref<4x2048xf32, #tpu.memory_space<hbm>>
        tpu.wait_dma2 semaphore(%arg20 : memref<!tpu.dma_semaphore, #tpu.memory_space<semaphore_mem>>) src(%arg12 : memref<4x2048xf32, #tpu.memory_space<vmem>>) dst(%dma_wait3A_212 : memref<4x2048xf32, #tpu.memory_space<hbm>>)
      } else {
      }
      %broadcast_in_dim3A_143 = arith.constant 0 : i32
      %broadcast_in_dim3A_144 = vector.broadcast %broadcast_in_dim3A_143 : i32 to vector<16xi32>
      %broadcast_in_dim3A_145 = arith.constant 1 : i32
      %broadcast_in_dim3A_146 = vector.broadcast %broadcast_in_dim3A_145 : i32 to vector<16xi32>
      %broadcast_in_dim3A_147 = arith.constant 2 : i32
      %broadcast_in_dim3A_148 = vector.broadcast %broadcast_in_dim3A_147 : i32 to vector<16xi32>
      %broadcast_in_dim3A_149 = arith.constant 3 : i32
      %broadcast_in_dim3A_150 = vector.broadcast %broadcast_in_dim3A_149 : i32 to vector<16xi32>
      %parallel_loop3A_151 = arith.constant 0 : i32
      %parallel_loop3A_152 = arith.constant 32 : i32
      %parallel_loop3A_153 = arith.constant 1 : i32
      scf.for %parallel_loop3A_205 = %parallel_loop3A_151 to %parallel_loop3A_152 step %parallel_loop3A_153  : i32 {
        %parallel_loop3A_206 = arith.constant 4 : i32
        %parallel_loop3A_207 = arith.muli %parallel_loop3A_205, %parallel_loop3A_206 : i32
        %parallel_loop3A_208 = arith.constant 0 : i32
        %parallel_loop3A_209 = arith.addi %parallel_loop3A_207, %parallel_loop3A_208 : i32
        %parallel_loop3A_210 = arith.constant 16 : i32
        %parallel_loop3A_211 = arith.muli %parallel_loop3A_209, %parallel_loop3A_210 : i32
        %parallel_loop3A_212 = arith.index_cast %parallel_loop3A_211 : i32 to index
        %parallel_loop3A_213 = tpu.vector_load %arg5[%parallel_loop3A_212] {strides = array<i32>} : memref<2048xi32, #tpu.memory_space<vmem>>, vector<16xi32>,
        %parallel_loop3A_214 = arith.constant 1 : i32
        %parallel_loop3A_215 = arith.addi %parallel_loop3A_207, %parallel_loop3A_214 : i32
        %parallel_loop3A_216 = arith.constant 16 : i32
        %parallel_loop3A_217 = arith.muli %parallel_loop3A_215, %parallel_loop3A_216 : i32
        %parallel_loop3A_218 = arith.index_cast %parallel_loop3A_217 : i32 to index
        %parallel_loop3A_219 = tpu.vector_load %arg5[%parallel_loop3A_218] {strides = array<i32>} : memref<2048xi32, #tpu.memory_space<vmem>>, vector<16xi32>,
        %parallel_loop3A_220 = arith.constant 2 : i32
        %parallel_loop3A_221 = arith.addi %parallel_loop3A_207, %parallel_loop3A_220 : i32
        %parallel_loop3A_222 = arith.constant 16 : i32
        %parallel_loop3A_223 = arith.muli %parallel_loop3A_221, %parallel_loop3A_222 : i32
        %parallel_loop3A_224 = arith.index_cast %parallel_loop3A_223 : i32 to index
        %parallel_loop3A_225 = tpu.vector_load %arg5[%parallel_loop3A_224] {strides = array<i32>} : memref<2048xi32, #tpu.memory_space<vmem>>, vector<16xi32>,
        %parallel_loop3A_226 = arith.constant 3 : i32
        %parallel_loop3A_227 = arith.addi %parallel_loop3A_207, %parallel_loop3A_226 : i32
        %parallel_loop3A_228 = arith.constant 16 : i32
        %parallel_loop3A_229 = arith.muli %parallel_loop3A_227, %parallel_loop3A_228 : i32
        %parallel_loop3A_230 = arith.index_cast %parallel_loop3A_229 : i32 to index
        %parallel_loop3A_231 = tpu.vector_load %arg5[%parallel_loop3A_230] {strides = array<i32>} : memref<2048xi32, #tpu.memory_space<vmem>>, vector<16xi32>,
        %parallel_loop3A_232 = tpu.vector_load_idx %arg8[%broadcast_in_dim3A_144, %parallel_loop3A_213] : memref<4x4096xf32, #tpu.memory_space<vmem>>[vector<16xi32>, vector<16xi32>], vector<16xf32>,
        %parallel_loop3A_233 = tpu.vector_load_idx %arg8[%broadcast_in_dim3A_146, %parallel_loop3A_213] : memref<4x4096xf32, #tpu.memory_space<vmem>>[vector<16xi32>, vector<16xi32>], vector<16xf32>,
        %parallel_loop3A_234 = tpu.vector_load_idx %arg8[%broadcast_in_dim3A_148, %parallel_loop3A_213] : memref<4x4096xf32, #tpu.memory_space<vmem>>[vector<16xi32>, vector<16xi32>], vector<16xf32>,
        %parallel_loop3A_235 = tpu.vector_load_idx %arg8[%broadcast_in_dim3A_150, %parallel_loop3A_213] : memref<4x4096xf32, #tpu.memory_space<vmem>>[vector<16xi32>, vector<16xi32>], vector<16xf32>,
        %parallel_loop3A_236 = tpu.vector_load_idx %arg8[%broadcast_in_dim3A_144, %parallel_loop3A_219] : memref<4x4096xf32, #tpu.memory_space<vmem>>[vector<16xi32>, vector<16xi32>], vector<16xf32>,
        %parallel_loop3A_237 = tpu.vector_load_idx %arg8[%broadcast_in_dim3A_146, %parallel_loop3A_219] : memref<4x4096xf32, #tpu.memory_space<vmem>>[vector<16xi32>, vector<16xi32>], vector<16xf32>,
        %parallel_loop3A_238 = tpu.vector_load_idx %arg8[%broadcast_in_dim3A_148, %parallel_loop3A_219] : memref<4x4096xf32, #tpu.memory_space<vmem>>[vector<16xi32>, vector<16xi32>], vector<16xf32>,
        %parallel_loop3A_239 = tpu.vector_load_idx %arg8[%broadcast_in_dim3A_150, %parallel_loop3A_219] : memref<4x4096xf32, #tpu.memory_space<vmem>>[vector<16xi32>, vector<16xi32>], vector<16xf32>,
        %parallel_loop3A_240 = tpu.vector_load_idx %arg8[%broadcast_in_dim3A_144, %parallel_loop3A_225] : memref<4x4096xf32, #tpu.memory_space<vmem>>[vector<16xi32>, vector<16xi32>], vector<16xf32>,
        %parallel_loop3A_241 = tpu.vector_load_idx %arg8[%broadcast_in_dim3A_146, %parallel_loop3A_225] : memref<4x4096xf32, #tpu.memory_space<vmem>>[vector<16xi32>, vector<16xi32>], vector<16xf32>,
        %parallel_loop3A_242 = tpu.vector_load_idx %arg8[%broadcast_in_dim3A_148, %parallel_loop3A_225] : memref<4x4096xf32, #tpu.memory_space<vmem>>[vector<16xi32>, vector<16xi32>], vector<16xf32>,
        %parallel_loop3A_243 = tpu.vector_load_idx %arg8[%broadcast_in_dim3A_150, %parallel_loop3A_225] : memref<4x4096xf32, #tpu.memory_space<vmem>>[vector<16xi32>, vector<16xi32>], vector<16xf32>,
        %parallel_loop3A_244 = tpu.vector_load_idx %arg8[%broadcast_in_dim3A_144, %parallel_loop3A_231] : memref<4x4096xf32, #tpu.memory_space<vmem>>[vector<16xi32>, vector<16xi32>], vector<16xf32>,
        %parallel_loop3A_245 = tpu.vector_load_idx %arg8[%broadcast_in_dim3A_146, %parallel_loop3A_231] : memref<4x4096xf32, #tpu.memory_space<vmem>>[vector<16xi32>, vector<16xi32>], vector<16xf32>,
        %parallel_loop3A_246 = tpu.vector_load_idx %arg8[%broadcast_in_dim3A_148, %parallel_loop3A_231] : memref<4x4096xf32, #tpu.memory_space<vmem>>[vector<16xi32>, vector<16xi32>], vector<16xf32>,
        %parallel_loop3A_247 = tpu.vector_load_idx %arg8[%broadcast_in_dim3A_150, %parallel_loop3A_231] : memref<4x4096xf32, #tpu.memory_space<vmem>>[vector<16xi32>, vector<16xi32>], vector<16xf32>,
        %parallel_loop3A_248 = arith.constant 0 : i32
        %parallel_loop3A_249 = arith.addi %parallel_loop3A_207, %parallel_loop3A_248 : i32
        %parallel_loop3A_250 = arith.constant 16 : i32
        %parallel_loop3A_251 = arith.muli %parallel_loop3A_249, %parallel_loop3A_250 : i32
        %parallel_loop3A_252 = arith.constant 0 : i32
        %parallel_loop3A_253 = arith.index_cast %parallel_loop3A_252 : i32 to index
        %parallel_loop3A_254 = arith.index_cast %parallel_loop3A_251 : i32 to index
        %parallel_loop3A_255 = tpu.vector_load %arg12[%parallel_loop3A_253, %parallel_loop3A_254] {strides = array<i32>} : memref<4x2048xf32, #tpu.memory_space<vmem>>, vector<16xf32>,
        tpu.vector_store %arg12[%parallel_loop3A_253, %parallel_loop3A_254], %parallel_loop3A_232 {strides = array<i32>} : memref<4x2048xf32, #tpu.memory_space<vmem>>, vector<16xf32>,
        %parallel_loop3A_256 = arith.constant 0 : i32
        %parallel_loop3A_257 = arith.addi %parallel_loop3A_207, %parallel_loop3A_256 : i32
        %parallel_loop3A_258 = arith.constant 16 : i32
        %parallel_loop3A_259 = arith.muli %parallel_loop3A_257, %parallel_loop3A_258 : i32
        %parallel_loop3A_260 = arith.constant 1 : i32
        %parallel_loop3A_261 = arith.index_cast %parallel_loop3A_260 : i32 to index
        %parallel_loop3A_262 = arith.index_cast %parallel_loop3A_259 : i32 to index
        %parallel_loop3A_263 = tpu.vector_load %arg12[%parallel_loop3A_261, %parallel_loop3A_262] {strides = array<i32>} : memref<4x2048xf32, #tpu.memory_space<vmem>>, vector<16xf32>,
        tpu.vector_store %arg12[%parallel_loop3A_261, %parallel_loop3A_262], %parallel_loop3A_233 {strides = array<i32>} : memref<4x2048xf32, #tpu.memory_space<vmem>>, vector<16xf32>,
        %parallel_loop3A_264 = arith.constant 0 : i32
        %parallel_loop3A_265 = arith.addi %parallel_loop3A_207, %parallel_loop3A_264 : i32
        %parallel_loop3A_266 = arith.constant 16 : i32
        %parallel_loop3A_267 = arith.muli %parallel_loop3A_265, %parallel_loop3A_266 : i32
        %parallel_loop3A_268 = arith.constant 2 : i32
        %parallel_loop3A_269 = arith.index_cast %parallel_loop3A_268 : i32 to index
        %parallel_loop3A_270 = arith.index_cast %parallel_loop3A_267 : i32 to index
        %parallel_loop3A_271 = tpu.vector_load %arg12[%parallel_loop3A_269, %parallel_loop3A_270] {strides = array<i32>} : memref<4x2048xf32, #tpu.memory_space<vmem>>, vector<16xf32>,
        tpu.vector_store %arg12[%parallel_loop3A_269, %parallel_loop3A_270], %parallel_loop3A_234 {strides = array<i32>} : memref<4x2048xf32, #tpu.memory_space<vmem>>, vector<16xf32>,
        %parallel_loop3A_272 = arith.constant 0 : i32
        %parallel_loop3A_273 = arith.addi %parallel_loop3A_207, %parallel_loop3A_272 : i32
        %parallel_loop3A_274 = arith.constant 16 : i32
        %parallel_loop3A_275 = arith.muli %parallel_loop3A_273, %parallel_loop3A_274 : i32
        %parallel_loop3A_276 = arith.constant 3 : i32
        %parallel_loop3A_277 = arith.index_cast %parallel_loop3A_276 : i32 to index
        %parallel_loop3A_278 = arith.index_cast %parallel_loop3A_275 : i32 to index
        %parallel_loop3A_279 = tpu.vector_load %arg12[%parallel_loop3A_277, %parallel_loop3A_278] {strides = array<i32>} : memref<4x2048xf32, #tpu.memory_space<vmem>>, vector<16xf32>,
        tpu.vector_store %arg12[%parallel_loop3A_277, %parallel_loop3A_278], %parallel_loop3A_235 {strides = array<i32>} : memref<4x2048xf32, #tpu.memory_space<vmem>>, vector<16xf32>,
        %parallel_loop3A_280 = arith.constant 1 : i32
        %parallel_loop3A_281 = arith.addi %parallel_loop3A_207, %parallel_loop3A_280 : i32
        %parallel_loop3A_282 = arith.constant 16 : i32
        %parallel_loop3A_283 = arith.muli %parallel_loop3A_281, %parallel_loop3A_282 : i32
        %parallel_loop3A_284 = arith.constant 0 : i32
        %parallel_loop3A_285 = arith.index_cast %parallel_loop3A_284 : i32 to index
        %parallel_loop3A_286 = arith.index_cast %parallel_loop3A_283 : i32 to index
        %parallel_loop3A_287 = tpu.vector_load %arg12[%parallel_loop3A_285, %parallel_loop3A_286] {strides = array<i32>} : memref<4x2048xf32, #tpu.memory_space<vmem>>, vector<16xf32>,
        tpu.vector_store %arg12[%parallel_loop3A_285, %parallel_loop3A_286], %parallel_loop3A_236 {strides = array<i32>} : memref<4x2048xf32, #tpu.memory_space<vmem>>, vector<16xf32>,
        %parallel_loop3A_288 = arith.constant 1 : i32
        %parallel_loop3A_289 = arith.addi %parallel_loop3A_207, %parallel_loop3A_288 : i32
        %parallel_loop3A_290 = arith.constant 16 : i32
        %parallel_loop3A_291 = arith.muli %parallel_loop3A_289, %parallel_loop3A_290 : i32
        %parallel_loop3A_292 = arith.constant 1 : i32
        %parallel_loop3A_293 = arith.index_cast %parallel_loop3A_292 : i32 to index
        %parallel_loop3A_294 = arith.index_cast %parallel_loop3A_291 : i32 to index
        %parallel_loop3A_295 = tpu.vector_load %arg12[%parallel_loop3A_293, %parallel_loop3A_294] {strides = array<i32>} : memref<4x2048xf32, #tpu.memory_space<vmem>>, vector<16xf32>,
        tpu.vector_store %arg12[%parallel_loop3A_293, %parallel_loop3A_294], %parallel_loop3A_237 {strides = array<i32>} : memref<4x2048xf32, #tpu.memory_space<vmem>>, vector<16xf32>,
        %parallel_loop3A_296 = arith.constant 1 : i32
        %parallel_loop3A_297 = arith.addi %parallel_loop3A_207, %parallel_loop3A_296 : i32
        %parallel_loop3A_298 = arith.constant 16 : i32
        %parallel_loop3A_299 = arith.muli %parallel_loop3A_297, %parallel_loop3A_298 : i32
        %parallel_loop3A_300 = arith.constant 2 : i32
        %parallel_loop3A_301 = arith.index_cast %parallel_loop3A_300 : i32 to index
        %parallel_loop3A_302 = arith.index_cast %parallel_loop3A_299 : i32 to index
        %parallel_loop3A_303 = tpu.vector_load %arg12[%parallel_loop3A_301, %parallel_loop3A_302] {strides = array<i32>} : memref<4x2048xf32, #tpu.memory_space<vmem>>, vector<16xf32>,
        tpu.vector_store %arg12[%parallel_loop3A_301, %parallel_loop3A_302], %parallel_loop3A_238 {strides = array<i32>} : memref<4x2048xf32, #tpu.memory_space<vmem>>, vector<16xf32>,
        %parallel_loop3A_304 = arith.constant 1 : i32
        %parallel_loop3A_305 = arith.addi %parallel_loop3A_207, %parallel_loop3A_304 : i32
        %parallel_loop3A_306 = arith.constant 16 : i32
        %parallel_loop3A_307 = arith.muli %parallel_loop3A_305, %parallel_loop3A_306 : i32
        %parallel_loop3A_308 = arith.constant 3 : i32
        %parallel_loop3A_309 = arith.index_cast %parallel_loop3A_308 : i32 to index
        %parallel_loop3A_310 = arith.index_cast %parallel_loop3A_307 : i32 to index
        %parallel_loop3A_311 = tpu.vector_load %arg12[%parallel_loop3A_309, %parallel_loop3A_310] {strides = array<i32>} : memref<4x2048xf32, #tpu.memory_space<vmem>>, vector<16xf32>,
        tpu.vector_store %arg12[%parallel_loop3A_309, %parallel_loop3A_310], %parallel_loop3A_239 {strides = array<i32>} : memref<4x2048xf32, #tpu.memory_space<vmem>>, vector<16xf32>,
        %parallel_loop3A_312 = arith.constant 2 : i32
        %parallel_loop3A_313 = arith.addi %parallel_loop3A_207, %parallel_loop3A_312 : i32
        %parallel_loop3A_314 = arith.constant 16 : i32
        %parallel_loop3A_315 = arith.muli %parallel_loop3A_313, %parallel_loop3A_314 : i32
        %parallel_loop3A_316 = arith.constant 0 : i32
        %parallel_loop3A_317 = arith.index_cast %parallel_loop3A_316 : i32 to index
        %parallel_loop3A_318 = arith.index_cast %parallel_loop3A_315 : i32 to index
        %parallel_loop3A_319 = tpu.vector_load %arg12[%parallel_loop3A_317, %parallel_loop3A_318] {strides = array<i32>} : memref<4x2048xf32, #tpu.memory_space<vmem>>, vector<16xf32>,
        tpu.vector_store %arg12[%parallel_loop3A_317, %parallel_loop3A_318], %parallel_loop3A_240 {strides = array<i32>} : memref<4x2048xf32, #tpu.memory_space<vmem>>, vector<16xf32>,
        %parallel_loop3A_320 = arith.constant 2 : i32
        %parallel_loop3A_321 = arith.addi %parallel_loop3A_207, %parallel_loop3A_320 : i32
        %parallel_loop3A_322 = arith.constant 16 : i32
        %parallel_loop3A_323 = arith.muli %parallel_loop3A_321, %parallel_loop3A_322 : i32
        %parallel_loop3A_324 = arith.constant 1 : i32
        %parallel_loop3A_325 = arith.index_cast %parallel_loop3A_324 : i32 to index
        %parallel_loop3A_326 = arith.index_cast %parallel_loop3A_323 : i32 to index
        %parallel_loop3A_327 = tpu.vector_load %arg12[%parallel_loop3A_325, %parallel_loop3A_326] {strides = array<i32>} : memref<4x2048xf32, #tpu.memory_space<vmem>>, vector<16xf32>,
        tpu.vector_store %arg12[%parallel_loop3A_325, %parallel_loop3A_326], %parallel_loop3A_241 {strides = array<i32>} : memref<4x2048xf32, #tpu.memory_space<vmem>>, vector<16xf32>,
        %parallel_loop3A_328 = arith.constant 2 : i32
        %parallel_loop3A_329 = arith.addi %parallel_loop3A_207, %parallel_loop3A_328 : i32
        %parallel_loop3A_330 = arith.constant 16 : i32
        %parallel_loop3A_331 = arith.muli %parallel_loop3A_329, %parallel_loop3A_330 : i32
        %parallel_loop3A_332 = arith.constant 2 : i32
        %parallel_loop3A_333 = arith.index_cast %parallel_loop3A_332 : i32 to index
        %parallel_loop3A_334 = arith.index_cast %parallel_loop3A_331 : i32 to index
        %parallel_loop3A_335 = tpu.vector_load %arg12[%parallel_loop3A_333, %parallel_loop3A_334] {strides = array<i32>} : memref<4x2048xf32, #tpu.memory_space<vmem>>, vector<16xf32>,
        tpu.vector_store %arg12[%parallel_loop3A_333, %parallel_loop3A_334], %parallel_loop3A_242 {strides = array<i32>} : memref<4x2048xf32, #tpu.memory_space<vmem>>, vector<16xf32>,
        %parallel_loop3A_336 = arith.constant 2 : i32
        %parallel_loop3A_337 = arith.addi %parallel_loop3A_207, %parallel_loop3A_336 : i32
        %parallel_loop3A_338 = arith.constant 16 : i32
        %parallel_loop3A_339 = arith.muli %parallel_loop3A_337, %parallel_loop3A_338 : i32
        %parallel_loop3A_340 = arith.constant 3 : i32
        %parallel_loop3A_341 = arith.index_cast %parallel_loop3A_340 : i32 to index
        %parallel_loop3A_342 = arith.index_cast %parallel_loop3A_339 : i32 to index
        %parallel_loop3A_343 = tpu.vector_load %arg12[%parallel_loop3A_341, %parallel_loop3A_342] {strides = array<i32>} : memref<4x2048xf32, #tpu.memory_space<vmem>>, vector<16xf32>,
        tpu.vector_store %arg12[%parallel_loop3A_341, %parallel_loop3A_342], %parallel_loop3A_243 {strides = array<i32>} : memref<4x2048xf32, #tpu.memory_space<vmem>>, vector<16xf32>,
        %parallel_loop3A_344 = arith.constant 3 : i32
        %parallel_loop3A_345 = arith.addi %parallel_loop3A_207, %parallel_loop3A_344 : i32
        %parallel_loop3A_346 = arith.constant 16 : i32
        %parallel_loop3A_347 = arith.muli %parallel_loop3A_345, %parallel_loop3A_346 : i32
        %parallel_loop3A_348 = arith.constant 0 : i32
        %parallel_loop3A_349 = arith.index_cast %parallel_loop3A_348 : i32 to index
        %parallel_loop3A_350 = arith.index_cast %parallel_loop3A_347 : i32 to index
        %parallel_loop3A_351 = tpu.vector_load %arg12[%parallel_loop3A_349, %parallel_loop3A_350] {strides = array<i32>} : memref<4x2048xf32, #tpu.memory_space<vmem>>, vector<16xf32>,
        tpu.vector_store %arg12[%parallel_loop3A_349, %parallel_loop3A_350], %parallel_loop3A_244 {strides = array<i32>} : memref<4x2048xf32, #tpu.memory_space<vmem>>, vector<16xf32>,
        %parallel_loop3A_352 = arith.constant 3 : i32
        %parallel_loop3A_353 = arith.addi %parallel_loop3A_207, %parallel_loop3A_352 : i32
        %parallel_loop3A_354 = arith.constant 16 : i32
        %parallel_loop3A_355 = arith.muli %parallel_loop3A_353, %parallel_loop3A_354 : i32
        %parallel_loop3A_356 = arith.constant 1 : i32
        %parallel_loop3A_357 = arith.index_cast %parallel_loop3A_356 : i32 to index
        %parallel_loop3A_358 = arith.index_cast %parallel_loop3A_355 : i32 to index
        %parallel_loop3A_359 = tpu.vector_load %arg12[%parallel_loop3A_357, %parallel_loop3A_358] {strides = array<i32>} : memref<4x2048xf32, #tpu.memory_space<vmem>>, vector<16xf32>,
        tpu.vector_store %arg12[%parallel_loop3A_357, %parallel_loop3A_358], %parallel_loop3A_245 {strides = array<i32>} : memref<4x2048xf32, #tpu.memory_space<vmem>>, vector<16xf32>,
        %parallel_loop3A_360 = arith.constant 3 : i32
        %parallel_loop3A_361 = arith.addi %parallel_loop3A_207, %parallel_loop3A_360 : i32
        %parallel_loop3A_362 = arith.constant 16 : i32
        %parallel_loop3A_363 = arith.muli %parallel_loop3A_361, %parallel_loop3A_362 : i32
        %parallel_loop3A_364 = arith.constant 2 : i32
        %parallel_loop3A_365 = arith.index_cast %parallel_loop3A_364 : i32 to index
        %parallel_loop3A_366 = arith.index_cast %parallel_loop3A_363 : i32 to index
        %parallel_loop3A_367 = tpu.vector_load %arg12[%parallel_loop3A_365, %parallel_loop3A_366] {strides = array<i32>} : memref<4x2048xf32, #tpu.memory_space<vmem>>, vector<16xf32>,
        tpu.vector_store %arg12[%parallel_loop3A_365, %parallel_loop3A_366], %parallel_loop3A_246 {strides = array<i32>} : memref<4x2048xf32, #tpu.memory_space<vmem>>, vector<16xf32>,
        %parallel_loop3A_368 = arith.constant 3 : i32
        %parallel_loop3A_369 = arith.addi %parallel_loop3A_207, %parallel_loop3A_368 : i32
        %parallel_loop3A_370 = arith.constant 16 : i32
        %parallel_loop3A_371 = arith.muli %parallel_loop3A_369, %parallel_loop3A_370 : i32
        %parallel_loop3A_372 = arith.constant 3 : i32
        %parallel_loop3A_373 = arith.index_cast %parallel_loop3A_372 : i32 to index
        %parallel_loop3A_374 = arith.index_cast %parallel_loop3A_371 : i32 to index
        %parallel_loop3A_375 = tpu.vector_load %arg12[%parallel_loop3A_373, %parallel_loop3A_374] {strides = array<i32>} : memref<4x2048xf32, #tpu.memory_space<vmem>>, vector<16xf32>,
        tpu.vector_store %arg12[%parallel_loop3A_373, %parallel_loop3A_374], %parallel_loop3A_247 {strides = array<i32>} : memref<4x2048xf32, #tpu.memory_space<vmem>>, vector<16xf32>,
      } {sc.loop_unroll_factor = 1 : i64, sc.parallel_access}
      %mul3A_154 = arith.constant 4 : i32
      %mul3A_155 = arith.muli %add3A_130, %mul3A_154 : i32
      %add3A_156 = arith.addi %mul3A_2, %mul3A_155 : i32
      %dma_start3A_157 = arith.constant 0 : i32
      %dma_start3A_158 = tpu.memref_slice %arg4[%add3A_156, %dma_start3A_157] : memref<8192x2048xf32, #tpu.memory_space<hbm>> -> memref<4x2048xf32, #tpu.memory_space<hbm>>
      %dma_start3A_159 = arith.constant 0 : i32
      %dma_start3A_160 = tpu.memref_slice %arg4[%add3A_156, %dma_start3A_159] : memref<8192x2048xf32, #tpu.memory_space<hbm>> -> memref<4x2048xf32, #tpu.memory_space<hbm>>
      tpu.enqueue_dma source(%arg12 : memref<4x2048xf32, #tpu.memory_space<vmem>>) target(%dma_start3A_160 : memref<4x2048xf32, #tpu.memory_space<hbm>>) target_semaphore(%arg20 : memref<!tpu.dma_semaphore, #tpu.memory_space<semaphore_mem>>)
      %lt3A_161 = arith.constant 15 : i32
      %lt3A_162 = arith.cmpi slt, %scan3A_54, %lt3A_161 : i32
      %convert_element_type3A_163 = arith.extui %lt3A_162 : i1 to i32
      %cond3A_164 = arith.constant 0 : i32
      %cond3A_165 = arith.cmpi ne, %convert_element_type3A_163, %cond3A_164 : i32
      scf.if %cond3A_165 {
        %add3A_205 = arith.constant 4 : i32
        %add3A_206 = arith.addi %add3A_130, %add3A_205 : i32
        %mul3A_207 = arith.constant 4 : i32
        %mul3A_208 = arith.muli %add3A_206, %mul3A_207 : i32
        %add3A_209 = arith.addi %mul3A_2, %mul3A_208 : i32
        %dma_start3A_210 = arith.constant 0 : i32
        %dma_start3A_211 = tpu.memref_slice %arg2[%add3A_209, %dma_start3A_210] : memref<8192x4096xf32, #tpu.memory_space<hbm>> -> memref<4x4096xf32, #tpu.memory_space<hbm>>
        %dma_start3A_212 = arith.constant 0 : i32
        %dma_start3A_213 = tpu.memref_slice %arg2[%add3A_209, %dma_start3A_212] : memref<8192x4096xf32, #tpu.memory_space<hbm>> -> memref<4x4096xf32, #tpu.memory_space<hbm>>
        tpu.enqueue_dma source(%dma_start3A_213 : memref<4x4096xf32, #tpu.memory_space<hbm>>) target(%arg8 : memref<4x4096xf32, #tpu.memory_space<vmem>>) target_semaphore(%arg16 : memref<!tpu.dma_semaphore, #tpu.memory_space<semaphore_mem>>)
      } else {
      }
      %mul3A_166 = arith.constant 4 : i32
      %mul3A_167 = arith.muli %scan3A_54, %mul3A_166 : i32
      %add3A_168 = arith.constant 3 : i32
      %add3A_169 = arith.addi %mul3A_167, %add3A_168 : i32
      %mul3A_170 = arith.constant 4 : i32
      %mul3A_171 = arith.muli %add3A_169, %mul3A_170 : i32
      %add3A_172 = arith.addi %mul3A_2, %mul3A_171 : i32
      %dma_wait3A_173 = arith.constant 0 : i32
      %dma_wait3A_174 = tpu.memref_slice %arg2[%add3A_172, %dma_wait3A_173] : memref<8192x4096xf32, #tpu.memory_space<hbm>> -> memref<4x4096xf32, #tpu.memory_space<hbm>>
      %dma_wait3A_175 = arith.constant 0 : i32
      %dma_wait3A_176 = tpu.memref_slice %arg2[%add3A_172, %dma_wait3A_175] : memref<8192x4096xf32, #tpu.memory_space<hbm>> -> memref<4x4096xf32, #tpu.memory_space<hbm>>
      tpu.wait_dma2 semaphore(%arg17 : memref<!tpu.dma_semaphore, #tpu.memory_space<semaphore_mem>>) src(%dma_wait3A_176 : memref<4x4096xf32, #tpu.memory_space<hbm>>) dst(%arg9 : memref<4x4096xf32, #tpu.memory_space<vmem>>)
      %gt3A_177 = arith.constant 0 : i32
      %gt3A_178 = arith.cmpi sgt, %scan3A_54, %gt3A_177 : i32
      %convert_element_type3A_179 = arith.extui %gt3A_178 : i1 to i32
      %cond3A_180 = arith.constant 0 : i32
      %cond3A_181 = arith.cmpi ne, %convert_element_type3A_179, %cond3A_180 : i32
      scf.if %cond3A_181 {
        %sub3A = arith.constant 4 : i32
        %sub3A_205 = arith.subi %add3A_169, %sub3A : i32
        %mul3A_206 = arith.constant 4 : i32
        %mul3A_207 = arith.muli %sub3A_205, %mul3A_206 : i32
        %add3A_208 = arith.addi %mul3A_2, %mul3A_207 : i32
        %dma_wait3A_209 = arith.constant 0 : i32
        %dma_wait3A_210 = tpu.memref_slice %arg4[%add3A_208, %dma_wait3A_209] : memref<8192x2048xf32, #tpu.memory_space<hbm>> -> memref<4x2048xf32, #tpu.memory_space<hbm>>
        %dma_wait3A_211 = arith.constant 0 : i32
        %dma_wait3A_212 = tpu.memref_slice %arg4[%add3A_208, %dma_wait3A_211] : memref<8192x2048xf32, #tpu.memory_space<hbm>> -> memref<4x2048xf32, #tpu.memory_space<hbm>>
        tpu.wait_dma2 semaphore(%arg21 : memref<!tpu.dma_semaphore, #tpu.memory_space<semaphore_mem>>) src(%arg13 : memref<4x2048xf32, #tpu.memory_space<vmem>>) dst(%dma_wait3A_212 : memref<4x2048xf32, #tpu.memory_space<hbm>>)
      } else {
      }
      %broadcast_in_dim3A_182 = arith.constant 0 : i32
      %broadcast_in_dim3A_183 = vector.broadcast %broadcast_in_dim3A_182 : i32 to vector<16xi32>
      %broadcast_in_dim3A_184 = arith.constant 1 : i32
      %broadcast_in_dim3A_185 = vector.broadcast %broadcast_in_dim3A_184 : i32 to vector<16xi32>
      %broadcast_in_dim3A_186 = arith.constant 2 : i32
      %broadcast_in_dim3A_187 = vector.broadcast %broadcast_in_dim3A_186 : i32 to vector<16xi32>
      %broadcast_in_dim3A_188 = arith.constant 3 : i32
      %broadcast_in_dim3A_189 = vector.broadcast %broadcast_in_dim3A_188 : i32 to vector<16xi32>
      %parallel_loop3A_190 = arith.constant 0 : i32
      %parallel_loop3A_191 = arith.constant 32 : i32
      %parallel_loop3A_192 = arith.constant 1 : i32
      scf.for %parallel_loop3A_205 = %parallel_loop3A_190 to %parallel_loop3A_191 step %parallel_loop3A_192  : i32 {
        %parallel_loop3A_206 = arith.constant 4 : i32
        %parallel_loop3A_207 = arith.muli %parallel_loop3A_205, %parallel_loop3A_206 : i32
        %parallel_loop3A_208 = arith.constant 0 : i32
        %parallel_loop3A_209 = arith.addi %parallel_loop3A_207, %parallel_loop3A_208 : i32
        %parallel_loop3A_210 = arith.constant 16 : i32
        %parallel_loop3A_211 = arith.muli %parallel_loop3A_209, %parallel_loop3A_210 : i32
        %parallel_loop3A_212 = arith.index_cast %parallel_loop3A_211 : i32 to index
        %parallel_loop3A_213 = tpu.vector_load %arg5[%parallel_loop3A_212] {strides = array<i32>} : memref<2048xi32, #tpu.memory_space<vmem>>, vector<16xi32>,
        %parallel_loop3A_214 = arith.constant 1 : i32
        %parallel_loop3A_215 = arith.addi %parallel_loop3A_207, %parallel_loop3A_214 : i32
        %parallel_loop3A_216 = arith.constant 16 : i32
        %parallel_loop3A_217 = arith.muli %parallel_loop3A_215, %parallel_loop3A_216 : i32
        %parallel_loop3A_218 = arith.index_cast %parallel_loop3A_217 : i32 to index
        %parallel_loop3A_219 = tpu.vector_load %arg5[%parallel_loop3A_218] {strides = array<i32>} : memref<2048xi32, #tpu.memory_space<vmem>>, vector<16xi32>,
        %parallel_loop3A_220 = arith.constant 2 : i32
        %parallel_loop3A_221 = arith.addi %parallel_loop3A_207, %parallel_loop3A_220 : i32
        %parallel_loop3A_222 = arith.constant 16 : i32
        %parallel_loop3A_223 = arith.muli %parallel_loop3A_221, %parallel_loop3A_222 : i32
        %parallel_loop3A_224 = arith.index_cast %parallel_loop3A_223 : i32 to index
        %parallel_loop3A_225 = tpu.vector_load %arg5[%parallel_loop3A_224] {strides = array<i32>} : memref<2048xi32, #tpu.memory_space<vmem>>, vector<16xi32>,
        %parallel_loop3A_226 = arith.constant 3 : i32
        %parallel_loop3A_227 = arith.addi %parallel_loop3A_207, %parallel_loop3A_226 : i32
        %parallel_loop3A_228 = arith.constant 16 : i32
        %parallel_loop3A_229 = arith.muli %parallel_loop3A_227, %parallel_loop3A_228 : i32
        %parallel_loop3A_230 = arith.index_cast %parallel_loop3A_229 : i32 to index
        %parallel_loop3A_231 = tpu.vector_load %arg5[%parallel_loop3A_230] {strides = array<i32>} : memref<2048xi32, #tpu.memory_space<vmem>>, vector<16xi32>,
        %parallel_loop3A_232 = tpu.vector_load_idx %arg9[%broadcast_in_dim3A_183, %parallel_loop3A_213] : memref<4x4096xf32, #tpu.memory_space<vmem>>[vector<16xi32>, vector<16xi32>], vector<16xf32>,
        %parallel_loop3A_233 = tpu.vector_load_idx %arg9[%broadcast_in_dim3A_185, %parallel_loop3A_213] : memref<4x4096xf32, #tpu.memory_space<vmem>>[vector<16xi32>, vector<16xi32>], vector<16xf32>,
        %parallel_loop3A_234 = tpu.vector_load_idx %arg9[%broadcast_in_dim3A_187, %parallel_loop3A_213] : memref<4x4096xf32, #tpu.memory_space<vmem>>[vector<16xi32>, vector<16xi32>], vector<16xf32>,
        %parallel_loop3A_235 = tpu.vector_load_idx %arg9[%broadcast_in_dim3A_189, %parallel_loop3A_213] : memref<4x4096xf32, #tpu.memory_space<vmem>>[vector<16xi32>, vector<16xi32>], vector<16xf32>,
        %parallel_loop3A_236 = tpu.vector_load_idx %arg9[%broadcast_in_dim3A_183, %parallel_loop3A_219] : memref<4x4096xf32, #tpu.memory_space<vmem>>[vector<16xi32>, vector<16xi32>], vector<16xf32>,
        %parallel_loop3A_237 = tpu.vector_load_idx %arg9[%broadcast_in_dim3A_185, %parallel_loop3A_219] : memref<4x4096xf32, #tpu.memory_space<vmem>>[vector<16xi32>, vector<16xi32>], vector<16xf32>,
        %parallel_loop3A_238 = tpu.vector_load_idx %arg9[%broadcast_in_dim3A_187, %parallel_loop3A_219] : memref<4x4096xf32, #tpu.memory_space<vmem>>[vector<16xi32>, vector<16xi32>], vector<16xf32>,
        %parallel_loop3A_239 = tpu.vector_load_idx %arg9[%broadcast_in_dim3A_189, %parallel_loop3A_219] : memref<4x4096xf32, #tpu.memory_space<vmem>>[vector<16xi32>, vector<16xi32>], vector<16xf32>,
        %parallel_loop3A_240 = tpu.vector_load_idx %arg9[%broadcast_in_dim3A_183, %parallel_loop3A_225] : memref<4x4096xf32, #tpu.memory_space<vmem>>[vector<16xi32>, vector<16xi32>], vector<16xf32>,
        %parallel_loop3A_241 = tpu.vector_load_idx %arg9[%broadcast_in_dim3A_185, %parallel_loop3A_225] : memref<4x4096xf32, #tpu.memory_space<vmem>>[vector<16xi32>, vector<16xi32>], vector<16xf32>,
        %parallel_loop3A_242 = tpu.vector_load_idx %arg9[%broadcast_in_dim3A_187, %parallel_loop3A_225] : memref<4x4096xf32, #tpu.memory_space<vmem>>[vector<16xi32>, vector<16xi32>], vector<16xf32>,
        %parallel_loop3A_243 = tpu.vector_load_idx %arg9[%broadcast_in_dim3A_189, %parallel_loop3A_225] : memref<4x4096xf32, #tpu.memory_space<vmem>>[vector<16xi32>, vector<16xi32>], vector<16xf32>,
        %parallel_loop3A_244 = tpu.vector_load_idx %arg9[%broadcast_in_dim3A_183, %parallel_loop3A_231] : memref<4x4096xf32, #tpu.memory_space<vmem>>[vector<16xi32>, vector<16xi32>], vector<16xf32>,
        %parallel_loop3A_245 = tpu.vector_load_idx %arg9[%broadcast_in_dim3A_185, %parallel_loop3A_231] : memref<4x4096xf32, #tpu.memory_space<vmem>>[vector<16xi32>, vector<16xi32>], vector<16xf32>,
        %parallel_loop3A_246 = tpu.vector_load_idx %arg9[%broadcast_in_dim3A_187, %parallel_loop3A_231] : memref<4x4096xf32, #tpu.memory_space<vmem>>[vector<16xi32>, vector<16xi32>], vector<16xf32>,
        %parallel_loop3A_247 = tpu.vector_load_idx %arg9[%broadcast_in_dim3A_189, %parallel_loop3A_231] : memref<4x4096xf32, #tpu.memory_space<vmem>>[vector<16xi32>, vector<16xi32>], vector<16xf32>,
        %parallel_loop3A_248 = arith.constant 0 : i32
        %parallel_loop3A_249 = arith.addi %parallel_loop3A_207, %parallel_loop3A_248 : i32
        %parallel_loop3A_250 = arith.constant 16 : i32
        %parallel_loop3A_251 = arith.muli %parallel_loop3A_249, %parallel_loop3A_250 : i32
        %parallel_loop3A_252 = arith.constant 0 : i32
        %parallel_loop3A_253 = arith.index_cast %parallel_loop3A_252 : i32 to index
        %parallel_loop3A_254 = arith.index_cast %parallel_loop3A_251 : i32 to index
        %parallel_loop3A_255 = tpu.vector_load %arg13[%parallel_loop3A_253, %parallel_loop3A_254] {strides = array<i32>} : memref<4x2048xf32, #tpu.memory_space<vmem>>, vector<16xf32>,
        tpu.vector_store %arg13[%parallel_loop3A_253, %parallel_loop3A_254], %parallel_loop3A_232 {strides = array<i32>} : memref<4x2048xf32, #tpu.memory_space<vmem>>, vector<16xf32>,
        %parallel_loop3A_256 = arith.constant 0 : i32
        %parallel_loop3A_257 = arith.addi %parallel_loop3A_207, %parallel_loop3A_256 : i32
        %parallel_loop3A_258 = arith.constant 16 : i32
        %parallel_loop3A_259 = arith.muli %parallel_loop3A_257, %parallel_loop3A_258 : i32
        %parallel_loop3A_260 = arith.constant 1 : i32
        %parallel_loop3A_261 = arith.index_cast %parallel_loop3A_260 : i32 to index
        %parallel_loop3A_262 = arith.index_cast %parallel_loop3A_259 : i32 to index
        %parallel_loop3A_263 = tpu.vector_load %arg13[%parallel_loop3A_261, %parallel_loop3A_262] {strides = array<i32>} : memref<4x2048xf32, #tpu.memory_space<vmem>>, vector<16xf32>,
        tpu.vector_store %arg13[%parallel_loop3A_261, %parallel_loop3A_262], %parallel_loop3A_233 {strides = array<i32>} : memref<4x2048xf32, #tpu.memory_space<vmem>>, vector<16xf32>,
        %parallel_loop3A_264 = arith.constant 0 : i32
        %parallel_loop3A_265 = arith.addi %parallel_loop3A_207, %parallel_loop3A_264 : i32
        %parallel_loop3A_266 = arith.constant 16 : i32
        %parallel_loop3A_267 = arith.muli %parallel_loop3A_265, %parallel_loop3A_266 : i32
        %parallel_loop3A_268 = arith.constant 2 : i32
        %parallel_loop3A_269 = arith.index_cast %parallel_loop3A_268 : i32 to index
        %parallel_loop3A_270 = arith.index_cast %parallel_loop3A_267 : i32 to index
        %parallel_loop3A_271 = tpu.vector_load %arg13[%parallel_loop3A_269, %parallel_loop3A_270] {strides = array<i32>} : memref<4x2048xf32, #tpu.memory_space<vmem>>, vector<16xf32>,
        tpu.vector_store %arg13[%parallel_loop3A_269, %parallel_loop3A_270], %parallel_loop3A_234 {strides = array<i32>} : memref<4x2048xf32, #tpu.memory_space<vmem>>, vector<16xf32>,
        %parallel_loop3A_272 = arith.constant 0 : i32
        %parallel_loop3A_273 = arith.addi %parallel_loop3A_207, %parallel_loop3A_272 : i32
        %parallel_loop3A_274 = arith.constant 16 : i32
        %parallel_loop3A_275 = arith.muli %parallel_loop3A_273, %parallel_loop3A_274 : i32
        %parallel_loop3A_276 = arith.constant 3 : i32
        %parallel_loop3A_277 = arith.index_cast %parallel_loop3A_276 : i32 to index
        %parallel_loop3A_278 = arith.index_cast %parallel_loop3A_275 : i32 to index
        %parallel_loop3A_279 = tpu.vector_load %arg13[%parallel_loop3A_277, %parallel_loop3A_278] {strides = array<i32>} : memref<4x2048xf32, #tpu.memory_space<vmem>>, vector<16xf32>,
        tpu.vector_store %arg13[%parallel_loop3A_277, %parallel_loop3A_278], %parallel_loop3A_235 {strides = array<i32>} : memref<4x2048xf32, #tpu.memory_space<vmem>>, vector<16xf32>,
        %parallel_loop3A_280 = arith.constant 1 : i32
        %parallel_loop3A_281 = arith.addi %parallel_loop3A_207, %parallel_loop3A_280 : i32
        %parallel_loop3A_282 = arith.constant 16 : i32
        %parallel_loop3A_283 = arith.muli %parallel_loop3A_281, %parallel_loop3A_282 : i32
        %parallel_loop3A_284 = arith.constant 0 : i32
        %parallel_loop3A_285 = arith.index_cast %parallel_loop3A_284 : i32 to index
        %parallel_loop3A_286 = arith.index_cast %parallel_loop3A_283 : i32 to index
        %parallel_loop3A_287 = tpu.vector_load %arg13[%parallel_loop3A_285, %parallel_loop3A_286] {strides = array<i32>} : memref<4x2048xf32, #tpu.memory_space<vmem>>, vector<16xf32>,
        tpu.vector_store %arg13[%parallel_loop3A_285, %parallel_loop3A_286], %parallel_loop3A_236 {strides = array<i32>} : memref<4x2048xf32, #tpu.memory_space<vmem>>, vector<16xf32>,
        %parallel_loop3A_288 = arith.constant 1 : i32
        %parallel_loop3A_289 = arith.addi %parallel_loop3A_207, %parallel_loop3A_288 : i32
        %parallel_loop3A_290 = arith.constant 16 : i32
        %parallel_loop3A_291 = arith.muli %parallel_loop3A_289, %parallel_loop3A_290 : i32
        %parallel_loop3A_292 = arith.constant 1 : i32
        %parallel_loop3A_293 = arith.index_cast %parallel_loop3A_292 : i32 to index
        %parallel_loop3A_294 = arith.index_cast %parallel_loop3A_291 : i32 to index
        %parallel_loop3A_295 = tpu.vector_load %arg13[%parallel_loop3A_293, %parallel_loop3A_294] {strides = array<i32>} : memref<4x2048xf32, #tpu.memory_space<vmem>>, vector<16xf32>,
        tpu.vector_store %arg13[%parallel_loop3A_293, %parallel_loop3A_294], %parallel_loop3A_237 {strides = array<i32>} : memref<4x2048xf32, #tpu.memory_space<vmem>>, vector<16xf32>,
        %parallel_loop3A_296 = arith.constant 1 : i32
        %parallel_loop3A_297 = arith.addi %parallel_loop3A_207, %parallel_loop3A_296 : i32
        %parallel_loop3A_298 = arith.constant 16 : i32
        %parallel_loop3A_299 = arith.muli %parallel_loop3A_297, %parallel_loop3A_298 : i32
        %parallel_loop3A_300 = arith.constant 2 : i32
        %parallel_loop3A_301 = arith.index_cast %parallel_loop3A_300 : i32 to index
        %parallel_loop3A_302 = arith.index_cast %parallel_loop3A_299 : i32 to index
        %parallel_loop3A_303 = tpu.vector_load %arg13[%parallel_loop3A_301, %parallel_loop3A_302] {strides = array<i32>} : memref<4x2048xf32, #tpu.memory_space<vmem>>, vector<16xf32>,
        tpu.vector_store %arg13[%parallel_loop3A_301, %parallel_loop3A_302], %parallel_loop3A_238 {strides = array<i32>} : memref<4x2048xf32, #tpu.memory_space<vmem>>, vector<16xf32>,
        %parallel_loop3A_304 = arith.constant 1 : i32
        %parallel_loop3A_305 = arith.addi %parallel_loop3A_207, %parallel_loop3A_304 : i32
        %parallel_loop3A_306 = arith.constant 16 : i32
        %parallel_loop3A_307 = arith.muli %parallel_loop3A_305, %parallel_loop3A_306 : i32
        %parallel_loop3A_308 = arith.constant 3 : i32
        %parallel_loop3A_309 = arith.index_cast %parallel_loop3A_308 : i32 to index
        %parallel_loop3A_310 = arith.index_cast %parallel_loop3A_307 : i32 to index
        %parallel_loop3A_311 = tpu.vector_load %arg13[%parallel_loop3A_309, %parallel_loop3A_310] {strides = array<i32>} : memref<4x2048xf32, #tpu.memory_space<vmem>>, vector<16xf32>,
        tpu.vector_store %arg13[%parallel_loop3A_309, %parallel_loop3A_310], %parallel_loop3A_239 {strides = array<i32>} : memref<4x2048xf32, #tpu.memory_space<vmem>>, vector<16xf32>,
        %parallel_loop3A_312 = arith.constant 2 : i32
        %parallel_loop3A_313 = arith.addi %parallel_loop3A_207, %parallel_loop3A_312 : i32
        %parallel_loop3A_314 = arith.constant 16 : i32
        %parallel_loop3A_315 = arith.muli %parallel_loop3A_313, %parallel_loop3A_314 : i32
        %parallel_loop3A_316 = arith.constant 0 : i32
        %parallel_loop3A_317 = arith.index_cast %parallel_loop3A_316 : i32 to index
        %parallel_loop3A_318 = arith.index_cast %parallel_loop3A_315 : i32 to index
        %parallel_loop3A_319 = tpu.vector_load %arg13[%parallel_loop3A_317, %parallel_loop3A_318] {strides = array<i32>} : memref<4x2048xf32, #tpu.memory_space<vmem>>, vector<16xf32>,
        tpu.vector_store %arg13[%parallel_loop3A_317, %parallel_loop3A_318], %parallel_loop3A_240 {strides = array<i32>} : memref<4x2048xf32, #tpu.memory_space<vmem>>, vector<16xf32>,
        %parallel_loop3A_320 = arith.constant 2 : i32
        %parallel_loop3A_321 = arith.addi %parallel_loop3A_207, %parallel_loop3A_320 : i32
        %parallel_loop3A_322 = arith.constant 16 : i32
        %parallel_loop3A_323 = arith.muli %parallel_loop3A_321, %parallel_loop3A_322 : i32
        %parallel_loop3A_324 = arith.constant 1 : i32
        %parallel_loop3A_325 = arith.index_cast %parallel_loop3A_324 : i32 to index
        %parallel_loop3A_326 = arith.index_cast %parallel_loop3A_323 : i32 to index
        %parallel_loop3A_327 = tpu.vector_load %arg13[%parallel_loop3A_325, %parallel_loop3A_326] {strides = array<i32>} : memref<4x2048xf32, #tpu.memory_space<vmem>>, vector<16xf32>,
        tpu.vector_store %arg13[%parallel_loop3A_325, %parallel_loop3A_326], %parallel_loop3A_241 {strides = array<i32>} : memref<4x2048xf32, #tpu.memory_space<vmem>>, vector<16xf32>,
        %parallel_loop3A_328 = arith.constant 2 : i32
        %parallel_loop3A_329 = arith.addi %parallel_loop3A_207, %parallel_loop3A_328 : i32
        %parallel_loop3A_330 = arith.constant 16 : i32
        %parallel_loop3A_331 = arith.muli %parallel_loop3A_329, %parallel_loop3A_330 : i32
        %parallel_loop3A_332 = arith.constant 2 : i32
        %parallel_loop3A_333 = arith.index_cast %parallel_loop3A_332 : i32 to index
        %parallel_loop3A_334 = arith.index_cast %parallel_loop3A_331 : i32 to index
        %parallel_loop3A_335 = tpu.vector_load %arg13[%parallel_loop3A_333, %parallel_loop3A_334] {strides = array<i32>} : memref<4x2048xf32, #tpu.memory_space<vmem>>, vector<16xf32>,
        tpu.vector_store %arg13[%parallel_loop3A_333, %parallel_loop3A_334], %parallel_loop3A_242 {strides = array<i32>} : memref<4x2048xf32, #tpu.memory_space<vmem>>, vector<16xf32>,
        %parallel_loop3A_336 = arith.constant 2 : i32
        %parallel_loop3A_337 = arith.addi %parallel_loop3A_207, %parallel_loop3A_336 : i32
        %parallel_loop3A_338 = arith.constant 16 : i32
        %parallel_loop3A_339 = arith.muli %parallel_loop3A_337, %parallel_loop3A_338 : i32
        %parallel_loop3A_340 = arith.constant 3 : i32
        %parallel_loop3A_341 = arith.index_cast %parallel_loop3A_340 : i32 to index
        %parallel_loop3A_342 = arith.index_cast %parallel_loop3A_339 : i32 to index
        %parallel_loop3A_343 = tpu.vector_load %arg13[%parallel_loop3A_341, %parallel_loop3A_342] {strides = array<i32>} : memref<4x2048xf32, #tpu.memory_space<vmem>>, vector<16xf32>,
        tpu.vector_store %arg13[%parallel_loop3A_341, %parallel_loop3A_342], %parallel_loop3A_243 {strides = array<i32>} : memref<4x2048xf32, #tpu.memory_space<vmem>>, vector<16xf32>,
        %parallel_loop3A_344 = arith.constant 3 : i32
        %parallel_loop3A_345 = arith.addi %parallel_loop3A_207, %parallel_loop3A_344 : i32
        %parallel_loop3A_346 = arith.constant 16 : i32
        %parallel_loop3A_347 = arith.muli %parallel_loop3A_345, %parallel_loop3A_346 : i32
        %parallel_loop3A_348 = arith.constant 0 : i32
        %parallel_loop3A_349 = arith.index_cast %parallel_loop3A_348 : i32 to index
        %parallel_loop3A_350 = arith.index_cast %parallel_loop3A_347 : i32 to index
        %parallel_loop3A_351 = tpu.vector_load %arg13[%parallel_loop3A_349, %parallel_loop3A_350] {strides = array<i32>} : memref<4x2048xf32, #tpu.memory_space<vmem>>, vector<16xf32>,
        tpu.vector_store %arg13[%parallel_loop3A_349, %parallel_loop3A_350], %parallel_loop3A_244 {strides = array<i32>} : memref<4x2048xf32, #tpu.memory_space<vmem>>, vector<16xf32>,
        %parallel_loop3A_352 = arith.constant 3 : i32
        %parallel_loop3A_353 = arith.addi %parallel_loop3A_207, %parallel_loop3A_352 : i32
        %parallel_loop3A_354 = arith.constant 16 : i32
        %parallel_loop3A_355 = arith.muli %parallel_loop3A_353, %parallel_loop3A_354 : i32
        %parallel_loop3A_356 = arith.constant 1 : i32
        %parallel_loop3A_357 = arith.index_cast %parallel_loop3A_356 : i32 to index
        %parallel_loop3A_358 = arith.index_cast %parallel_loop3A_355 : i32 to index
        %parallel_loop3A_359 = tpu.vector_load %arg13[%parallel_loop3A_357, %parallel_loop3A_358] {strides = array<i32>} : memref<4x2048xf32, #tpu.memory_space<vmem>>, vector<16xf32>,
        tpu.vector_store %arg13[%parallel_loop3A_357, %parallel_loop3A_358], %parallel_loop3A_245 {strides = array<i32>} : memref<4x2048xf32, #tpu.memory_space<vmem>>, vector<16xf32>,
        %parallel_loop3A_360 = arith.constant 3 : i32
        %parallel_loop3A_361 = arith.addi %parallel_loop3A_207, %parallel_loop3A_360 : i32
        %parallel_loop3A_362 = arith.constant 16 : i32
        %parallel_loop3A_363 = arith.muli %parallel_loop3A_361, %parallel_loop3A_362 : i32
        %parallel_loop3A_364 = arith.constant 2 : i32
        %parallel_loop3A_365 = arith.index_cast %parallel_loop3A_364 : i32 to index
        %parallel_loop3A_366 = arith.index_cast %parallel_loop3A_363 : i32 to index
        %parallel_loop3A_367 = tpu.vector_load %arg13[%parallel_loop3A_365, %parallel_loop3A_366] {strides = array<i32>} : memref<4x2048xf32, #tpu.memory_space<vmem>>, vector<16xf32>,
        tpu.vector_store %arg13[%parallel_loop3A_365, %parallel_loop3A_366], %parallel_loop3A_246 {strides = array<i32>} : memref<4x2048xf32, #tpu.memory_space<vmem>>, vector<16xf32>,
        %parallel_loop3A_368 = arith.constant 3 : i32
        %parallel_loop3A_369 = arith.addi %parallel_loop3A_207, %parallel_loop3A_368 : i32
        %parallel_loop3A_370 = arith.constant 16 : i32
        %parallel_loop3A_371 = arith.muli %parallel_loop3A_369, %parallel_loop3A_370 : i32
        %parallel_loop3A_372 = arith.constant 3 : i32
        %parallel_loop3A_373 = arith.index_cast %parallel_loop3A_372 : i32 to index
        %parallel_loop3A_374 = arith.index_cast %parallel_loop3A_371 : i32 to index
        %parallel_loop3A_375 = tpu.vector_load %arg13[%parallel_loop3A_373, %parallel_loop3A_374] {strides = array<i32>} : memref<4x2048xf32, #tpu.memory_space<vmem>>, vector<16xf32>,
        tpu.vector_store %arg13[%parallel_loop3A_373, %parallel_loop3A_374], %parallel_loop3A_247 {strides = array<i32>} : memref<4x2048xf32, #tpu.memory_space<vmem>>, vector<16xf32>,
      } {sc.loop_unroll_factor = 1 : i64, sc.parallel_access}
      %mul3A_193 = arith.constant 4 : i32
      %mul3A_194 = arith.muli %add3A_169, %mul3A_193 : i32
      %add3A_195 = arith.addi %mul3A_2, %mul3A_194 : i32
      %dma_start3A_196 = arith.constant 0 : i32
      %dma_start3A_197 = tpu.memref_slice %arg4[%add3A_195, %dma_start3A_196] : memref<8192x2048xf32, #tpu.memory_space<hbm>> -> memref<4x2048xf32, #tpu.memory_space<hbm>>
      %dma_start3A_198 = arith.constant 0 : i32
      %dma_start3A_199 = tpu.memref_slice %arg4[%add3A_195, %dma_start3A_198] : memref<8192x2048xf32, #tpu.memory_space<hbm>> -> memref<4x2048xf32, #tpu.memory_space<hbm>>
      tpu.enqueue_dma source(%arg13 : memref<4x2048xf32, #tpu.memory_space<vmem>>) target(%dma_start3A_199 : memref<4x2048xf32, #tpu.memory_space<hbm>>) target_semaphore(%arg21 : memref<!tpu.dma_semaphore, #tpu.memory_space<semaphore_mem>>)
      %lt3A_200 = arith.constant 15 : i32
      %lt3A_201 = arith.cmpi slt, %scan3A_54, %lt3A_200 : i32
      %convert_element_type3A_202 = arith.extui %lt3A_201 : i1 to i32
      %cond3A_203 = arith.constant 0 : i32
      %cond3A_204 = arith.cmpi ne, %convert_element_type3A_202, %cond3A_203 : i32
      scf.if %cond3A_204 {
        %add3A_205 = arith.constant 4 : i32
        %add3A_206 = arith.addi %add3A_169, %add3A_205 : i32
        %mul3A_207 = arith.constant 4 : i32
        %mul3A_208 = arith.muli %add3A_206, %mul3A_207 : i32
        %add3A_209 = arith.addi %mul3A_2, %mul3A_208 : i32
        %dma_start3A_210 = arith.constant 0 : i32
        %dma_start3A_211 = tpu.memref_slice %arg2[%add3A_209, %dma_start3A_210] : memref<8192x4096xf32, #tpu.memory_space<hbm>> -> memref<4x4096xf32, #tpu.memory_space<hbm>>
        %dma_start3A_212 = arith.constant 0 : i32
        %dma_start3A_213 = tpu.memref_slice %arg2[%add3A_209, %dma_start3A_212] : memref<8192x4096xf32, #tpu.memory_space<hbm>> -> memref<4x4096xf32, #tpu.memory_space<hbm>>
        tpu.enqueue_dma source(%dma_start3A_213 : memref<4x4096xf32, #tpu.memory_space<hbm>>) target(%arg9 : memref<4x4096xf32, #tpu.memory_space<vmem>>) target_semaphore(%arg17 : memref<!tpu.dma_semaphore, #tpu.memory_space<semaphore_mem>>)
      } else {
      }
    }
    %scan3A_30 = arith.constant 16 : i32
    %add3A_31 = arith.constant 240 : i32
    %add3A_32 = arith.addi %mul3A_2, %add3A_31 : i32
    %dma_wait3A = arith.constant 0 : i32
    %dma_wait3A_33 = tpu.memref_slice %arg4[%add3A_32, %dma_wait3A] : memref<8192x2048xf32, #tpu.memory_space<hbm>> -> memref<4x2048xf32, #tpu.memory_space<hbm>>
    %dma_wait3A_34 = arith.constant 0 : i32
    %dma_wait3A_35 = tpu.memref_slice %arg4[%add3A_32, %dma_wait3A_34] : memref<8192x2048xf32, #tpu.memory_space<hbm>> -> memref<4x2048xf32, #tpu.memory_space<hbm>>
    tpu.wait_dma2 semaphore(%arg18 : memref<!tpu.dma_semaphore, #tpu.memory_space<semaphore_mem>>) src(%arg10 : memref<4x2048xf32, #tpu.memory_space<vmem>>) dst(%dma_wait3A_35 : memref<4x2048xf32, #tpu.memory_space<hbm>>)
    %add3A_36 = arith.constant 244 : i32
    %add3A_37 = arith.addi %mul3A_2, %add3A_36 : i32
    %dma_wait3A_38 = arith.constant 0 : i32
    %dma_wait3A_39 = tpu.memref_slice %arg4[%add3A_37, %dma_wait3A_38] : memref<8192x2048xf32, #tpu.memory_space<hbm>> -> memref<4x2048xf32, #tpu.memory_space<hbm>>
    %dma_wait3A_40 = arith.constant 0 : i32
    %dma_wait3A_41 = tpu.memref_slice %arg4[%add3A_37, %dma_wait3A_40] : memref<8192x2048xf32, #tpu.memory_space<hbm>> -> memref<4x2048xf32, #tpu.memory_space<hbm>>
    tpu.wait_dma2 semaphore(%arg19 : memref<!tpu.dma_semaphore, #tpu.memory_space<semaphore_mem>>) src(%arg11 : memref<4x2048xf32, #tpu.memory_space<vmem>>) dst(%dma_wait3A_41 : memref<4x2048xf32, #tpu.memory_space<hbm>>)
    %add3A_42 = arith.constant 248 : i32
    %add3A_43 = arith.addi %mul3A_2, %add3A_42 : i32
    %dma_wait3A_44 = arith.constant 0 : i32
    %dma_wait3A_45 = tpu.memref_slice %arg4[%add3A_43, %dma_wait3A_44] : memref<8192x2048xf32, #tpu.memory_space<hbm>> -> memref<4x2048xf32, #tpu.memory_space<hbm>>
    %dma_wait3A_46 = arith.constant 0 : i32
    %dma_wait3A_47 = tpu.memref_slice %arg4[%add3A_43, %dma_wait3A_46] : memref<8192x2048xf32, #tpu.memory_space<hbm>> -> memref<4x2048xf32, #tpu.memory_space<hbm>>
    tpu.wait_dma2 semaphore(%arg20 : memref<!tpu.dma_semaphore, #tpu.memory_space<semaphore_mem>>) src(%arg12 : memref<4x2048xf32, #tpu.memory_space<vmem>>) dst(%dma_wait3A_47 : memref<4x2048xf32, #tpu.memory_space<hbm>>)
    %add3A_48 = arith.constant 252 : i32
    %add3A_49 = arith.addi %mul3A_2, %add3A_48 : i32
    %dma_wait3A_50 = arith.constant 0 : i32
    %dma_wait3A_51 = tpu.memref_slice %arg4[%add3A_49, %dma_wait3A_50] : memref<8192x2048xf32, #tpu.memory_space<hbm>> -> memref<4x2048xf32, #tpu.memory_space<hbm>>
    %dma_wait3A_52 = arith.constant 0 : i32
    %dma_wait3A_53 = tpu.memref_slice %arg4[%add3A_49, %dma_wait3A_52] : memref<8192x2048xf32, #tpu.memory_space<hbm>> -> memref<4x2048xf32, #tpu.memory_space<hbm>>
    tpu.wait_dma2 semaphore(%arg21 : memref<!tpu.dma_semaphore, #tpu.memory_space<semaphore_mem>>) src(%arg13 : memref<4x2048xf32, #tpu.memory_space<vmem>>) dst(%dma_wait3A_53 : memref<4x2048xf32, #tpu.memory_space<hbm>>)
    return
  }
}

</mosaic_0001>

<sc_bundles>
// kernel: kernel.3.cloned.1.call-start
scs
__scs_entry_jumppad:
0x0: {  	(pc) =	sbr.rel $0x88, $3  }
0x1: {  	(tag) =	ssettag $0x0;
	lr =	simm.s32 $0x1  }
0x2: {  	[smem:$0x3F9F] =	sst lr;
	_ =	strace $0xD0000000  }
0x3: {  	_ = 	snop  }
0x4: {  	_ = 	snop  }
0x5: {  	_ = 	snop  }
0x6: {  	_ = 	snop  }
0x7: {  	_ = 	snop  }
__scs_overlays_trampoline_lowered:
0x8: {  	[smem:$0x3FAE] =	sst s0  }
0x9: {  	[smem:$0x3FAF] =	sst s1  }
0xa: {  	[smem:$0x3FB0] =	sst s2  }
0xb: {  	[smem:$0x3FB1] =	sst s3  }
0xc: {  	[smem:$0x3FB2] =	sst s4  }
0xd: {  	[smem:$0x3FB3] =	sst s5  }
0xe: {  	[smem:$0x3FB4] =	sst s6  }
0xf: {  	[smem:$0x3FB5] =	sst s7  }
0x10: {  	[smem:$0x3FB6] =	sst s8  }
0x11: {  	[smem:$0x3FB7] =	sst s9;
	s0 =	simm.s32 @!p0 $0x0  }
0x12: {  	s1 =	sld [smem:$0x3F9D];
	s0 =	simm.s32 @p0 $0x1  }
0x13: {  	[smem:$0x3FB8] =	sst s0;
	s0 =	simm.s32 @!p1 $0x0  }
0x14: {  	s2 =	sld [smem:$0x3F9C];
	s0 =	simm.s32 @p1 $0x1  }
0x15: {  	[smem:$0x3FB9] =	sst s0;
	s0 =	simm.s32 @!p2 $0x0  }
0x16: {  	s3 =	sld [smem:$0x3FDB];
	s0 =	simm.s32 @p2 $0x1  }
0x17: {  	s4 =	simm.s32 $0x1BF5;
	[smem:$0x3FBB] =	sst s0  }
0x18: {  	s0 =	sld [smem:$0x3F9E];
	_ =	swait.ge [sflag:s4], $0x0  }
0x19: {  	s7 =	sld [smem:$0x3F9F]  }
0x1a: {  	s8 =	sadd.s32 $0xFFFFE003, lr  }
0x1b: {  	s9 =	sadd.s32 $0xFFFFFEF7, lr;
	s5 =	simm.s32 $0xFFFFFFFF;
	p2 =	slt.u32 s8, $0xFFFFF086  }
0x1c: {  	p1 =	slt.u32 s9, $0xF7A;
	s5 =	simm.s32 @!p2 $0x0  }
0x1d: {  	s5 =	simm.s32 @p1 $0x1;
	p0 =	seq.s32 s7, s2  }
0x1e: {  	s7 =	smul.u32 @!p0 $0xF7A, s2;
	p2 =	seq.s32 @!p0 s5, $0x0  }
0x1f: {  	s9 =	smul.u32 $0xF7A, s1;
	s8 =	simm.s32 @!p0 $0x1BF5;
	p2 =	por !p2, p0  }
0x20: {  	[sflag:s8] =	ssyncset.s32 @!p0 $0xFFFFF086;
	s6 =	sadd.s32 @!p0 s3, s7;
	s7 =	simm.s32 @!p0 $0x108  }
0x21: {  	s3 =	sadd.s32 s3, s9;
	s6 =	sadd.s32 @!p0 $0x88, s6;
	s7 =	simm.s32 @p2 $0x1082  }
0x22: {  	[simem:s7], [sflag:s8] =	dma.local @!p0 [hbm:s6], $0xF7A  }
0x23: {  	s9 =	sor.u32 $0xD0000000, s2;
	s6 =	simm.s32 $0x108;
	_ =	swait.ge @!p0 [sflag:s8], $0x0  }
0x24: {  	s3 =	sadd.s32 $0x88, s3;
	s6 =	simm.s32 @!p1 $0x1082;
	[sflag:s4] =	ssyncset.s32 $0xFFFFF086  }
0x25: {  	[simem:s6], [sflag:s4] =	dma.local [hbm:s3], $0xF7A  }
0x26: {  	[smem:$0x3F9F] =	sst s1;
	(tag) =	ssettag s2;
	_ =	strace s9  }
0x27: {  	s1 =	sld [smem:$0x3FAF]  }
0x28: {  	s2 =	sld [smem:$0x3FB0]  }
0x29: {  	s4 =	sld [smem:$0x3FB2]  }
0x2a: {  	p0 =	seq.s32 s5, $0x0;
	s5 =	sld [smem:$0x3FB3]  }
0x2b: {  	s6 =	sld [smem:$0x3FB4]  }
0x2c: {  	s7 =	sld [smem:$0x3FB5]  }
0x2d: {  	s3 =	simm.s32 $0x108;
	s8 =	sld [smem:$0x3FB6]  }
0x2e: {  	s3 =	simm.s32 @!p0 $0x1082;
	s9 =	sld [smem:$0x3FB7]  }
0x2f: {  	lr =	sadd.s32 s0, s3;
	s0 =	sld [smem:$0x3FAE]  }
0x30: {  	s3 =	sld [smem:$0x3FB1]  }
0x31: {  	[smem:$0x3FBA] =	sst s10  }
0x32: {  	s10 =	sld [smem:$0x3FB8];
	_ =	sdelay $0x3  }
0x33: {  	p0 =	seq.s32 s10, $0x1;
	s10 =	sld [smem:$0x3FBA];
	_ =	sdelay $0x3  }
0x34: {  	[smem:$0x3FBA] =	sst s10  }
0x35: {  	s10 =	sld [smem:$0x3FB9];
	_ =	sdelay $0x3  }
0x36: {  	p1 =	seq.s32 s10, $0x1;
	s10 =	sld [smem:$0x3FBA];
	_ =	sdelay $0x3  }
0x37: {  	[smem:$0x3FBA] =	sst s10  }
0x38: {  	s10 =	sld [smem:$0x3FBB]  }
0x39: {  	_ = 	snop;
	(pc) =	sbr.ind lr, $3  }
0x3a: {  	_ = 	snop  }
0x3b: {  	_ = 	snop  }
0x3c: {  	p2 =	seq.s32 s10, $0x1;
	s10 =	sld [smem:$0x3FBA]  }
0x3d: {  	_ =	shalt  }
0x3e: {  	_ =	shalt  }
0x3f: {  	_ =	shalt  }
0x40: {  	_ =	shalt  }
0x41: {  	_ =	shalt  }
0x42: {  	_ =	shalt  }
0x43: {  	_ =	shalt  }
0x44: {  	_ =	shalt  }
0x45: {  	_ =	shalt  }
0x46: {  	_ =	shalt  }
0x47: {  	_ =	shalt  }
0x48: {  	_ =	shalt  }
0x49: {  	_ =	shalt  }
0x4a: {  	_ =	shalt  }
0x4b: {  	_ =	shalt  }
0x4c: {  	_ =	shalt  }
0x4d: {  	_ =	shalt  }
0x4e: {  	_ =	shalt  }
0x4f: {  	_ =	shalt  }
0x50: {  	_ =	shalt  }
0x51: {  	_ =	shalt  }
0x52: {  	_ =	shalt  }
0x53: {  	_ =	shalt  }
0x54: {  	_ =	shalt  }
0x55: {  	_ =	shalt  }
0x56: {  	_ =	shalt  }
0x57: {  	_ =	shalt  }
0x58: {  	_ =	shalt  }
0x59: {  	_ =	shalt  }
0x5a: {  	_ =	shalt  }
0x5b: {  	_ =	shalt  }
0x5c: {  	_ =	shalt  }
0x5d: {  	_ =	shalt  }
0x5e: {  	_ =	shalt  }
0x5f: {  	_ =	shalt  }
0x60: {  	_ =	shalt  }
0x61: {  	_ =	shalt  }
0x62: {  	_ =	shalt  }
0x63: {  	_ =	shalt  }
0x64: {  	_ =	shalt  }
0x65: {  	_ =	shalt  }
0x66: {  	_ =	shalt  }
0x67: {  	_ =	shalt  }
0x68: {  	_ =	shalt  }
0x69: {  	_ =	shalt  }
0x6a: {  	_ =	shalt  }
0x6b: {  	_ =	shalt  }
0x6c: {  	_ =	shalt  }
0x6d: {  	_ =	shalt  }
0x6e: {  	_ =	shalt  }
0x6f: {  	_ =	shalt  }
0x70: {  	_ =	shalt  }
0x71: {  	_ =	shalt  }
0x72: {  	_ =	shalt  }
0x73: {  	_ =	shalt  }
0x74: {  	_ =	shalt  }
0x75: {  	_ =	shalt  }
0x76: {  	_ =	shalt  }
0x77: {  	_ =	shalt  }
0x78: {  	_ =	shalt  }
0x79: {  	_ =	shalt  }
0x7a: {  	_ =	shalt  }
0x7b: {  	_ =	shalt  }
0x7c: {  	_ =	shalt  }
0x7d: {  	_ =	shalt  }
0x7e: {  	_ =	shalt  }
0x7f: {  	_ =	shalt  }
0x80: {  	_ =	shalt  }
0x81: {  	_ =	shalt  }
0x82: {  	_ =	shalt  }
0x83: {  	_ =	shalt  }
0x84: {  	_ =	shalt  }
0x85: {  	_ =	shalt  }
0x86: {  	_ =	shalt  }
0x87: {  	_ =	shalt  }
.Lfunc_end0:
.L_simem_size_0:
called_computation_lowered:
.L_overlay_start_0:
0x88: {  	s2 =	sld [smem:$0x3FD9]  }
0x89: {  	s3 =	sld [smem:$0x3FFE];
	_ =	sdelay $0x1  }
0x8a: {  	s1 =	srdreg.scid  }
0x8b: {  	s0 =	sand.u32 $0x1, s1  }
0x8c: {  	s18 =	sshll.u32 s0, $0xA;
	s2 =	sadd.s32 s3, s2  }
0x8d: {  	s2 =	sadd.s32 s2, s18  }
0x8e: {  	[smem:$0x3FC6] =	sst s2  }
0x8f: {  	_ = 	snop  }
0x90: {  	s2 =	sld [smem:$0x3FC9]  }
0x91: {  	s19 =	sld [smem:$0x3FC8]  }
0x92: {  	s4 =	sld [smem:$0x3FD0];
	(tm) =	ssettm $0x1  }
0x93: {  	s5 =	sld [smem:$0x3FFB];
	_ =	sdelay $0x3  }
0x94: {  	_ =	strace s5  }
0x95: {  	s5 =	sld [smem:$0x3FFC];
	_ =	sdelay $0x3  }
0x96: {  	_ =	strace s5  }
0x97: {  	s5 =	sld [smem:$0x3FFD];
	_ =	sdelay $0x3  }
0x98: {  	_ =	strace s5  }
0x99: {  	_ =	strace $0x8FFFFFFF  }
0x9a: {  	s20 =	sld [smem:$0x3FDB];
	_ =	sdelay $0x1  }
0x9b: {  	s6 =	simm.s32 $_scs_section_size  }
0x9c: {  	s7 =	simm.s32 $_size__tile_overlayer_lowered;
	s8 =	simm.s32 $_tile_overlayer_lowered  }
0x9d: {  	s23 =	simm.s32 $0x1BFF;
	s22 =	sshll.u32 s8, $0x1;
	s5 =	sadd.s32 s6, s20  }
0x9e: {  	s9 =	simm.s32 $0x0;
	s21 =	sshll.u32 s7, $0x1;
	s7 =	sadd.s32 s22, s5  }
0x9f: {  	[timem:s9], [sflag:s23] =	dma.local [hbm:s7], s21  }
0xa0: {  	_ =	swait.ge [sflag:s23], s21  }
0xa1: {  	s6 =	ssub.s32 $0x0, s21;
	[sflag:s23] =	ssyncset.done $0x0  }
0xa2: {  	[sflag:s23] =	ssyncadd.s32 s6;
	_ =	sdelay $0x1  }
0xa3: {  	s24 =	simm.s32 $0x1B8B  }
0xa4: {  	_ =	swait.ge [sflag:s24], $0x1  }
0xa5: {  	[sflag:s24] =	ssyncset.done $0x0  }
0xa6: {  	s25 =	simm.s32 $0x1B8E;
	[sflag:s24] =	ssyncadd.s32 $0xFFFFFFFF  }
0xa7: {  	s26 =	simm.s32 $execute0_lowered;
	[smem:$0x3FD2] =	sst s25  }
0xa8: {  	s6 =	sshll.u32 s26, $0x1;
	_ =	strace $0x80000046;
	[dreg:$0x1] =	wrdreg $0xFFFFFFFF  }
0xa9: {  	s28 =	simm.s32 $_size_execute0_lowered;
	s5 =	sadd.s32 s5, s6;
	[dreg:$0x0] =	wrdreg $0x0  }
0xaa: {  	s6 =	sshll.u32 s28, $0x1;
	[dreg:$0x2] =	wrdreg s5  }
0xab: {  	[dreg:$0x3] =	wrdreg s6  }
0xac: {  	[dreg:$0x4] =	wrdreg $0xC0  }
0xad: {  	_ =	task [dreg:s9], $0x5FFFF  }
0xae: {  	[dreg:$0x1] =	wrdreg $0xFFFFFFFF  }
0xaf: {  	[dreg:$0x0] =	wrdreg $0x60  }
0xb0: {  	[dreg:$0x2] =	wrdreg s2  }
0xb1: {  	[dreg:$0x3] =	wrdreg s19  }
0xb2: {  	[dreg:$0x4] =	wrdreg s4  }
0xb3: {  	[dreg:$0x5] =	wrdreg $0x9  }
0xb4: {  	_ =	task.clear_ibuf [dreg:s9], $0x6FFFF;
	_ =	strace $0x90000046  }
0xb5: {  	s29 =	simm.s32 $0x9;
	_ =	strace $0x80000048  }
0xb6: {  	_ =	swait.ge [sflag:s29], $0x1  }
0xb7: {  	[sflag:s29] =	ssyncadd.s32 $0xFFFFFFFF  }
0xb8: {  	_ =	strace $0x90000048  }
0xb9: {  	_ =	sfence  }
0xba: {  	s30 =	sld [smem:$0x0];
	_ =	sdelay $0x2  }
0xbb: {  	s31 =	sshll.u32 s1, $0xD;
	s1 =	sshrl.u32 s1, $0x2  }
0xbc: {  	s3 =	sand.u32 $0x4000, s31;
	s1 =	sadd.s32 s1, s30  }
0xbd: {  	s0 =	sor.u32 s3, s0;
	s1 =	sshll.u32 s1, $0x11  }
0xbe: {  	s0 =	sor.u32 s1, s0  }
0xbf: {  	s0 =	sadd.s32 $0x8F2B, s0  }
0xc0: {  	[sflag:s0] =	ssyncadd.remote.s32 $0x1  }
0xc1: {  	_ =	sfence.sel $0xFFFF  }
0xc2: {  	[dreg:$0x0] =	wrdreg $0xFFFFFFFF;
	(pc) =	sbr.abs _section_cstart, $3  }
0xc3: {  	[dreg:$0x1] =	wrdreg $0xFFFFFFFF  }
0xc4: {  	_ =	task.clear_ibuf [dreg:s9], $0x2FFFF;
	_ =	strace $0x9FFFFFFF  }
0xc5: {  	(tm) =	ssettm $0x7FFFFFFF  }
tec
execute0_lowered:
.L_overlay_start_1:
0x0: {  	(tag) =	ssettag $0x1  }
0x1: {  	s3 =	rddreg [dreg:$0x0]  }
0x2: {  	s4 =	rddreg [dreg:$0x2]  }
0x3: {  	s0 =	srdreg.scid;
	s2 =	simm.s32 $0x0;
	s1 =	stileid.u32  }
0x4: {  	s14 =	simm.s32 $0x200;
	s0 =	sand.u32 $0x1, s0;
	[smem:$0x7FF] =	sst s2  }
0x5: {  	s1 =	sshll.u32 s1, $0x9;
	s6 =	sadd.s32 $0x40, s3;
	s30 =	sadd.s32 $0x40, s4  }
0x6: {  	s23 =	sshll.u32 s0, $0x8;
	_ =	strace $0x80000047;
	[dreg:$0x5] =	wrdreg s6  }
0x7: {  	s18 =	simm.s32 $0x400;
	[dreg:$0xc] =	wrdreg s30;
	s5 =	sor.u32 s23, s1  }
0x8: {  	s0 =	ssub.s32 $0x2, s0;
	s28 =	sshll.u32 s5, $0x8;
	[dreg:$0x4] =	wrdreg s5  }
0x9: {  	s24 =	sshrl.u32 s0, $0x1;
	s29 =	sor.u32 $0x10, s5;
	[dreg:$0xa] =	wrdreg s28  }
0xa: {  	s2 =	sshll.u32 s5, $0x9;
	s31 =	sor.u32 $0x18, s5;
	[dreg:$0xb] =	wrdreg s29  }
0xb: {  	s25 =	sadd.s32 s3, s2;
	s2 =	sadd.s32 s2, s6;
	[dreg:$0xd] =	wrdreg s31  }
.Ltmp0:
0xc: {  	s0 =	ssub.s32 s0, s24;
	[dreg:$0x7] =	wrdreg s2;
	(pc) =	sbr.rel .LBB2_1-.Ltmp0, $4  }
0xd: {  	s19 =	simm.s32 $0x800;
	s0 =	smax.u32 s0, $0x1;
	[dreg:$0x6] =	wrdreg s25  }
0xe: {  	s20 =	simm.s32 $0x4800;
	s26 =	sadd.s32 $0x1000, s25;
	[dreg:$0xe] =	wrdreg s0  }
0xf: {  	s21 =	simm.s32 $0x8800;
	s1 =	sadd.s32 $0x1040, s25;
	[dreg:$0x8] =	wrdreg s26  }
0x10: {  	s22 =	simm.s32 $0xC800;
	s2 =	simm.s32 $0x0;
	[dreg:$0x9] =	wrdreg s1  }
.LBB2_20:
0x11: {  	s0 =	simm.s32 $0x5  }
0x12: {  	_ =	swait.ge [sflag:s0], $0x2000  }
0x13: {  	[sflag:s0] =	ssyncset.done $0x0  }
0x14: {  	s29 =	simm.s32 $0x6;
	[sflag:s0] =	ssyncadd.s32 $0xFFFFE000  }
0x15: {  	_ =	swait.ge [sflag:s29], $0x2000  }
0x16: {  	[sflag:s29] =	ssyncset.done $0x0  }
0x17: {  	s30 =	simm.s32 $0x7;
	[sflag:s29] =	ssyncadd.s32 $0xFFFFE000  }
0x18: {  	_ =	swait.ge [sflag:s30], $0x2000  }
0x19: {  	[sflag:s30] =	ssyncset.done $0x0  }
0x1a: {  	s1 =	simm.s32 $0x8;
	[sflag:s30] =	ssyncadd.s32 $0xFFFFE000  }
0x1b: {  	_ =	swait.ge [sflag:s1], $0x2000  }
0x1c: {  	s2 =	rddreg [dreg:$0xf]  }
0x1d: {  	s31 =	rddreg [dreg:$0xe];
	s2 =	sadd.s32 $0x1, s2  }
0x1e: {  	p0 =	sne.s32 s2, s31  }
.Ltmp1:
0x1f: {  	_ = 	snop;
	(pc) =	sbr.rel @!p0 .LBB2_21-.Ltmp1, $3  }
0x20: {  	_ =	sdelay $0x1  }
0x21: {  	[sflag:s1] =	ssyncset.done $0x0  }
0x22: {  	[sflag:s1] =	ssyncadd.s32 $0xFFFFE000  }
.LBB2_1:
0x23: {  	[dreg:$0xf] =	wrdreg s2  }
0x24: {  	s0 =	rddreg [dreg:$0x6]  }
0x25: {  	[tilespmem:s19], [sflag:$0x1] =	stream.strided.gather [hbm4b:s0+s14], $0x4000, s18, s14, $0x38;
	[tilespmem:$0x18800] =	vst v63  }
0x26: {  	s26 =	rddreg [dreg:$0x7]  }
0x27: {  	[tilespmem:s20], [sflag:$0x2] =	stream.strided.gather [hbm4b:s26+s14], $0x4000, s18, s14, $0x38;
	[tilespmem:$0x18800] =	vst v63  }
0x28: {  	s28 =	rddreg [dreg:$0x8]  }
0x29: {  	[tilespmem:s21], [sflag:$0x3] =	stream.strided.gather [hbm4b:s28+s14], $0x4000, s18, s14, $0x38;
	[tilespmem:$0x18800] =	vst v63  }
0x2a: {  	s29 =	rddreg [dreg:$0x9]  }
0x2b: {  	[tilespmem:s22], [sflag:$0x4] =	stream.strided.gather [hbm4b:s29+s14], $0x4000, s18, s14, $0x38;
	[tilespmem:$0x18800] =	vst v63  }
0x2c: {  	s30 =	rddreg [dreg:$0x1];
	s1 =	simm.s32 $0x0;
	s31 =	simm.s32 $0x9  }
0x2d: {  	[tilespmem:s1], [sflag:$0x9] =	stream.linear.gather [hbm4b:s30+s1], $0x800, $0x38;
	[tilespmem:$0x18800] =	vst v63  }
0x2e: {  	_ =	swait.ge [sflag:s31], $0x800  }
0x2f: {  	[sflag:s31] =	ssyncset.done $0x0  }
0x30: {  	s11 =	simm.s32 $0x0;
	[sflag:s31] =	ssyncadd.s32 $0xFFFFF800  }
.LBB2_2:
0x31: {  	s0 =	simm.s32 $0x1  }
0x32: {  	_ =	swait.ge [sflag:s0], $0x4000  }
0x33: {  	p0 =	seq.s32 s11, $0x0;
	[sflag:s0] =	ssyncset.done $0x0  }
0x34: {  	s1 =	simm.s32 @!p0 $0x5;
	[sflag:s0] =	ssyncadd.s32 $0xFFFFC000  }
0x35: {  	_ =	swait.ge @!p0 [sflag:s1], $0x2000  }
0x36: {  	[sflag:s1] =	ssyncset.done @!p0 $0x0  }
0x37: {  	s12 =	simm.s32 $0x0;
	[sflag:s1] =	ssyncadd.s32 @!p0 $0xFFFFE000  }
0x38: {  	v0 =	vld [tilespmem:s12+$0x0]  }
0x39: {  	s4 =	simm.s32 $0x0  }
0x3a: {  	s13 =	sand.u32 $0x40, s4  }
0x3b: {  	s5 =	sand.u32 $0x780, s4;
	s8 =	sor.u32 $0x30, s13  }
0x3c: {  	s2 =	sor.u32 s8, s5  }
0x3d: {  	v2 =	vld [tilespmem:s2+$0x0];
	v1 =	vshll.u32 v0, $0x2  }
0x3e: {  	v0 =	vand.u32 $0x7F, v0;
	v1 =	vand.u32 $0xFFFFFE00, v1  }
0x3f: {  	v0 =	vor.u32 v0, v1  }
0x40: {  	s15 =	sor.u32 $0x10, s13;
	v1 =	vor.u32 $0x80, v0  }
0x41: {  	s17 =	sor.u32 $0x20, s13;
	s3 =	sor.u32 s15, s5;
	v3 =	vor.u32 $0x100, v0  }
0x42: {  	s5 =	sor.u32 s17, s5;
	v4 =	vld [tilespmem:s3+$0x0];
	v5 =	vshll.u32 v2, $0x2  }
0x43: {  	v8 =	vld [tilespmem:s5+$0x0];
	v2 =	vand.u32 $0x7F, v2;
	v5 =	vand.u32 $0xFFFFFE00, v5;
	v6 =	vor.u32 $0x180, v0  }
0x44: {  	v7 =	vld.idx.msk [tilespmem:v0+s19+$0x0], $0xffff;
	v0 =	vor.u32 v2, v5  }
0x45: {  	v5 =	vld.idx.msk [tilespmem:v1+s19+$0x0], $0xffff;
	v1 =	vor.u32 $0x180, v0  }
0x46: {  	s24 =	simm.s32 $0x40;
	v11 =	vld.idx.msk [tilespmem:v3+s19+$0x0], $0xffff;
	v3 =	vor.u32 $0x100, v0  }
0x47: {  	v12 =	vld [tilespmem:s24+$0x0];
	v2 =	vshll.u32 v4, $0x2  }
0x48: {  	s6 =	simm.s32 $0x40;
	v4 =	vand.u32 $0x7F, v4;
	v13 =	vld.idx.msk [tilespmem:v6+s19+$0x0], $0xffff;
	v2 =	vand.u32 $0xFFFFFE00, v2;
	v6 =	vor.u32 $0x80, v0  }
0x49: {  	s9 =	sand.u32 $0x40, s6;
	v4 =	vor.u32 v4, v2;
	v2 =	vld.idx.msk [tilespmem:v0+s19+$0x0], $0xffff  }
0x4a: {  	s6 =	sand.u32 $0x780, s6;
	s23 =	sor.u32 $0x30, s9;
	v9 =	vor.u32 $0x180, v4;
	v0 =	vld.idx.msk [tilespmem:v1+s19+$0x0], $0xffff  }
0x4b: {  	s25 =	sor.u32 s23, s6;
	v1 =	vld.idx.msk [tilespmem:v3+s19+$0x0], $0xffff;
	v3 =	vshll.u32 v8, $0x2  }
0x4c: {  	v18 =	vld [tilespmem:s25+$0x0];
	v10 =	vor.u32 $0x80, v4;
	v8 =	vand.u32 $0x7F, v8;
	v14 =	vand.u32 $0xFFFFFE00, v3  }
0x4d: {  	v3 =	vld.idx.msk [tilespmem:v6+s19+$0x0], $0xffff;
	v6 =	vor.u32 v8, v14  }
0x4e: {  	s5 =	sor.u32 $0x10, s9;
	v15 =	vld.idx.msk [tilespmem:v4+s19+$0x0], $0xffff;
	v4 =	vor.u32 $0x100, v4  }
0x4f: {  	s10 =	sor.u32 s5, s6;
	v20 =	vld.idx.msk [tilespmem:v9+s19+$0x0], $0xffff;
	v8 =	vor.u32 $0x100, v6  }
0x50: {  	v14 =	vld [tilespmem:s10+$0x0];
	v9 =	vshll.u32 v12, $0x2;
	v16 =	vor.u32 $0x80, v6  }
0x51: {  	v17 =	vld.idx.msk [tilespmem:v10+s19+$0x0], $0xffff;
	v12 =	vand.u32 $0x7F, v12;
	v10 =	vor.u32 $0x180, v6;
	v19 =	vand.u32 $0xFFFFFE00, v9  }
0x52: {  	v9 =	vld.idx.msk [tilespmem:v6+s19+$0x0], $0xffff;
	v6 =	vor.u32 v12, v19  }
0x53: {  	p1 =	por $0x0, $0x0;
	s4 =	sand.u32 $0x1E00, s4;
	s10 =	simm.s32 $0x1;
	v21 =	vld.idx.msk [tilespmem:v4+s19+$0x0], $0xffff;
	v19 =	vor.u32 $0x80, v6  }
0x54: {  	s25 =	sadd.s32 $0x10800, s4;
	s10 =	simm.s32 @!p1 $0x0;
	v8 =	vld.idx.msk [tilespmem:v8+s19+$0x0], $0xffff;
	v22 =	vor.u32 $0x100, v6  }
0x55: {  	s1 =	sor.u32 s13, s25;
	s26 =	sshll.u32 s10, $0x6;
	v4 =	vshll.u32 v18, $0x2;
	v12 =	vld.idx.msk [tilespmem:v16+s19+$0x0], $0xffff;
	v16 =	vor.u32 $0x180, v6  }
0x56: {  	s13 =	sadd.s32 $0x0, s26;
	v18 =	vand.u32 $0x7F, v18;
	v23 =	vand.u32 $0xFFFFFE00, v4;
	v10 =	vld.idx.msk [tilespmem:v10+s19+$0x0], $0xffff;
	[tilespmem:s1+$0x0] =	vst v7  }
0x57: {  	s28 =	sor.u32 $0x100, s13;
	v18 =	vor.u32 v18, v23;
	[tilespmem:s1+$0x80] =	vst v5;
	v4 =	vld.idx.msk [tilespmem:v6+s19+$0x0], $0xffff  }
0x58: {  	s4 =	sor.u32 $0x180, s13;
	v23 =	vor.u32 $0x180, v18;
	[tilespmem:s28+$0x10800] =	vst v11;
	v5 =	vld.idx.msk [tilespmem:v19+s19+$0x0], $0xffff  }
0x59: {  	s16 =	sshll.u32 s11, $0x4;
	s2 =	sor.u32 s15, s25;
	s1 =	sor.u32 $0x20, s9;
	[tilespmem:s4+$0x10800] =	vst v13;
	v6 =	vld.idx.msk [tilespmem:v22+s19+$0x0], $0xffff  }
0x5a: {  	s29 =	simm.s32 $0x80;
	s15 =	sadd.s32 $0x10, s13;
	s6 =	sor.u32 s1, s6;
	v11 =	vshll.u32 v14, $0x2;
	[tilespmem:s2+$0x0] =	vst v15;
	v7 =	vld.idx.msk [tilespmem:v16+s19+$0x0], $0xffff;
	v19 =	vor.u32 $0x100, v18  }
0x5b: {  	s24 =	simm.s32 $0x200;
	p1 =	por !p1, !p1;
	s30 =	sor.u32 $0x100, s15;
	v13 =	vand.u32 $0x7F, v14;
	v11 =	vand.u32 $0xFFFFFE00, v11;
	[tilespmem:s2+$0x80] =	vst v17;
	v16 =	vld [tilespmem:s6+$0x0]  }
0x5c: {  	s10 =	simm.s32 $0x100;
	s12 =	sadd.s32 $0x20, s13;
	s31 =	sor.u32 $0x180, s15;
	v15 =	vor.u32 v13, v11;
	[tilespmem:s30+$0x10800] =	vst v21;
	v13 =	vld.idx.msk [tilespmem:v18+s19+$0x0], $0xffff;
	v18 =	vor.u32 $0x80, v18  }
0x5d: {  	s26 =	sor.u32 $0x100, s12;
	s4 =	sor.u32 s17, s25;
	s2 =	sadd.s32 $0x30, s13;
	v14 =	vor.u32 $0x80, v15;
	v17 =	vor.u32 $0x180, v15;
	[tilespmem:s31+$0x10800] =	vst v20;
	v11 =	vld.idx.msk [tilespmem:v23+s19+$0x0], $0xffff  }
.LBB2_3:
0x5e: {  	s15 =	sand.u32 $0x40, s29  }
0x5f: {  	s3 =	sshra.s32 s24, $0x2;
	v19 =	vld.idx.msk [tilespmem:v19+s19+$0x0], $0xffff;
	s13 =	smov.u32 s24;
	s31 =	sadd.s32 $0x100, s24  }
0x60: {  	s28 =	sand.u32 $0x780, s29;
	v20 =	vld [tilespmem:s3+$0x0];
	s6 =	sor.u32 $0x10, s15;
	s30 =	sor.u32 $0x30, s15;
	v21 =	vshll.u32 v16, $0x2;
	[tilespmem:s4+$0x80] =	vst v12  }
0x61: {  	s3 =	sor.u32 $0x20, s15;
	v12 =	vand.u32 $0x7F, v16;
	s0 =	sor.u32 s6, s28;
	s7 =	sor.u32 s30, s28;
	v16 =	vand.u32 $0xFFFFFE00, v21;
	v18 =	vld.idx.msk [tilespmem:v18+s19+$0x0], $0xffff;
	[tilespmem:s4+$0x0] =	vst v9  }
0x62: {  	p2 =	sne.s32 s24, $0x1F00;
	s28 =	sor.u32 s3, s28;
	s4 =	sor.u32 $0x180, s12;
	v21 =	vld.idx.msk [tilespmem:v15+s19+$0x0], $0xffff;
	v9 =	vor.u32 v12, v16;
	[tilespmem:s26+$0x10800] =	vst v8  }
0x63: {  	v12 =	vor.u32 $0x100, v15;
	v22 =	vld.idx.msk [tilespmem:v17+s19+$0x0], $0xffff;
	v15 =	vor.u32 $0x80, v9;
	v8 =	vor.u32 $0x100, v9;
	[tilespmem:s4+$0x10800] =	vst v10;
	s4 =	sor.u32 s8, s25;
	s8 =	smov.u32 s23;
	s23 =	smov.u32 s30  }
0x64: {  	v10 =	vor.u32 $0x180, v9;
	v17 =	vld [tilespmem:s0+$0x0];
	[tilespmem:s4+$0x0] =	vst v2;
	s0 =	sor.u32 $0x100, s2;
	v2 =	vmov v13  }
0x65: {  	s2 =	sor.u32 $0x180, s2;
	v13 =	vshll.u32 v20, $0x2;
	v14 =	vld.idx.msk [tilespmem:v14+s19+$0x0], $0xffff;
	[tilespmem:s4+$0x80] =	vst v3  }
0x66: {  	v20 =	vand.u32 $0x7F, v20;
	v16 =	vld [tilespmem:s7+$0x0];
	v13 =	vand.u32 $0xFFFFFE00, v13;
	[tilespmem:s0+$0x10800] =	vst v1;
	v1 =	vmov v19  }
0x67: {  	v3 =	vmov v18;
	v13 =	vor.u32 v20, v13;
	v9 =	vld.idx.msk [tilespmem:v9+s19+$0x0], $0xffff;
	[tilespmem:s2+$0x10800] =	vst v0;
	v0 =	vmov v11  }
0x68: {  	v11 =	vor.u32 $0x80, v13;
	v8 =	vld.idx.msk [tilespmem:v8+s19+$0x0], $0xffff  }
0x69: {  	s0 =	sand.u32 $0x1E00, s10;
	s2 =	simm.s32 $0x1;
	v18 =	vor.u32 $0x100, v13;
	v20 =	vld.idx.msk [tilespmem:v12+s19+$0x0], $0xffff  }
0x6a: {  	s25 =	sadd.s32 $0x10800, s0;
	v23 =	vor.u32 $0x180, v13;
	s2 =	simm.s32 @!p1 $0x0;
	v12 =	vld.idx.msk [tilespmem:v15+s19+$0x0], $0xffff  }
0x6b: {  	s4 =	sor.u32 s1, s25;
	s0 =	sshll.u32 s2, $0x6;
	s2 =	sor.u32 s9, s25;
	v15 =	vshll.u32 v16, $0x2;
	v10 =	vld.idx.msk [tilespmem:v10+s19+$0x0], $0xffff  }
0x6c: {  	s9 =	smov.u32 s15;
	s0 =	sadd.s32 s0, s10;
	s10 =	smov.u32 s13;
	v16 =	vand.u32 $0x7F, v16;
	v15 =	vand.u32 $0xFFFFFE00, v15;
	[tilespmem:s2+$0x0] =	vst v4;
	v4 =	vld.idx.msk [tilespmem:v13+s19+$0x0], $0xffff  }
0x6d: {  	s1 =	sor.u32 $0x100, s0;
	s7 =	sadd.s32 $0x10, s0;
	s12 =	sadd.s32 $0x20, s0;
	v13 =	vor.u32 v16, v15;
	[tilespmem:s2+$0x80] =	vst v5;
	v5 =	vld.idx.msk [tilespmem:v11+s19+$0x0], $0xffff  }
0x6e: {  	s13 =	sor.u32 $0x180, s0;
	s2 =	sadd.s32 $0x30, s0;
	v11 =	vor.u32 $0x180, v13;
	[tilespmem:s1+$0x10800] =	vst v6;
	v6 =	vld.idx.msk [tilespmem:v18+s19+$0x0], $0xffff;
	s1 =	smov.u32 s3  }
.Ltmp2:
0x6f: {  	s0 =	sor.u32 s5, s25;
	s5 =	smov.u32 s6;
	v19 =	vor.u32 $0x100, v13;
	[tilespmem:s13+$0x10800] =	vst v7;
	v7 =	vld.idx.msk [tilespmem:v23+s19+$0x0], $0xffff;
	(pc) =	sbr.rel @p2 .LBB2_3-.Ltmp2, $4  }
0x70: {  	v15 =	vshll.u32 v17, $0x2;
	v16 =	vld [tilespmem:s28+$0x0];
	[tilespmem:s0+$0x0] =	vst v21  }
0x71: {  	v17 =	vand.u32 $0x7F, v17;
	v15 =	vand.u32 $0xFFFFFE00, v15;
	v18 =	vor.u32 $0x80, v13;
	[tilespmem:s0+$0x80] =	vst v14;
	s0 =	sor.u32 $0x100, s7  }
0x72: {  	s29 =	sadd.s32 $0x40, s29;
	v15 =	vor.u32 v17, v15;
	v13 =	vld.idx.msk [tilespmem:v13+s19+$0x0], $0xffff;
	[tilespmem:s0+$0x10800] =	vst v20;
	s0 =	sor.u32 $0x180, s7  }
0x73: {  	s24 =	smov.u32 s31;
	p1 =	por !p1, !p1;
	s26 =	sor.u32 $0x100, s12;
	v17 =	vor.u32 $0x180, v15;
	v14 =	vor.u32 $0x80, v15;
	v11 =	vld.idx.msk [tilespmem:v11+s19+$0x0], $0xffff;
	[tilespmem:s0+$0x10800] =	vst v22  }
0x74: {  	_ =	sdelay $0x2  }
0x75: {  	v20 =	vshll.u32 v16, $0x2  }
0x76: {  	v19 =	vld.idx.msk [tilespmem:v19+s19+$0x0], $0xffff;
	v55 =	vor.u32 $0x100, v15;
	v53 =	vand.u32 $0x7F, v16;
	v20 =	vand.u32 $0xFFFFFE00, v20  }
0x77: {  	v18 =	vld.idx.msk [tilespmem:v18+s19+$0x0], $0xffff;
	[tilespmem:s4+$0x80] =	vst v12;
	v16 =	vor.u32 v53, v20  }
0x78: {  	v54 =	vld.idx.msk [tilespmem:v15+s19+$0x0], $0xffff;
	[tilespmem:s4+$0x0] =	vst v9;
	v20 =	vor.u32 $0x100, v16  }
0x79: {  	v56 =	vld.idx.msk [tilespmem:v17+s19+$0x0], $0xffff;
	s0 =	sor.u32 $0x180, s12;
	[tilespmem:s26+$0x10800] =	vst v8;
	v57 =	vor.u32 $0x80, v16  }
0x7a: {  	v14 =	vld.idx.msk [tilespmem:v14+s19+$0x0], $0xffff;
	s30 =	sor.u32 s8, s25;
	[tilespmem:s0+$0x10800] =	vst v10;
	v58 =	vor.u32 $0x180, v16  }
0x7b: {  	[tilespmem:s30+$0x0] =	vst v2;
	v61 =	vld.idx.msk [tilespmem:v55+s19+$0x0], $0xffff  }
0x7c: {  	s3 =	sor.u32 $0x100, s2;
	s31 =	sand.u32 $0x1E00, s10;
	s4 =	simm.s32 $0x1;
	[tilespmem:s30+$0x80] =	vst v3;
	v59 =	vld.idx.msk [tilespmem:v16+s19+$0x0], $0xffff  }
0x7d: {  	s6 =	sor.u32 $0x180, s2;
	s4 =	simm.s32 @!p1 $0x0;
	s0 =	sadd.s32 $0x10800, s31;
	[tilespmem:s3+$0x10800] =	vst v1;
	v60 =	vld.idx.msk [tilespmem:v20+s19+$0x0], $0xffff  }
0x7e: {  	s7 =	sshll.u32 s4, $0x6;
	s8 =	sor.u32 s9, s0;
	[tilespmem:s6+$0x10800] =	vst v0;
	v62 =	vld.idx.msk [tilespmem:v57+s19+$0x0], $0xffff  }
0x7f: {  	s2 =	sadd.s32 s7, s10;
	v63 =	vld.idx.msk [tilespmem:v58+s19+$0x0], $0xffff;
	[tilespmem:s8+$0x0] =	vst v4  }
0x80: {  	s9 =	sor.u32 $0x100, s2;
	[tilespmem:s8+$0x80] =	vst v5  }
0x81: {  	s10 =	sor.u32 $0x180, s2;
	[tilespmem:s9+$0x10800] =	vst v6  }
0x82: {  	s12 =	sor.u32 s5, s0;
	[tilespmem:s10+$0x10800] =	vst v7  }
0x83: {  	s13 =	sadd.s32 $0x10, s2;
	[tilespmem:s12+$0x0] =	vst v54  }
0x84: {  	s15 =	sor.u32 $0x100, s13;
	[tilespmem:s12+$0x80] =	vst v14  }
0x85: {  	s17 =	sor.u32 $0x180, s13;
	[tilespmem:s15+$0x10800] =	vst v61  }
0x86: {  	s1 =	sor.u32 s1, s0;
	[tilespmem:s17+$0x10800] =	vst v56  }
0x87: {  	s24 =	sadd.s32 $0x20, s2;
	[tilespmem:s1+$0x80] =	vst v62  }
0x88: {  	s25 =	sor.u32 $0x100, s24;
	[tilespmem:s1+$0x0] =	vst v59  }
0x89: {  	s26 =	sor.u32 $0x180, s24;
	[tilespmem:s25+$0x10800] =	vst v60  }
0x8a: {  	s0 =	sor.u32 s23, s0;
	[tilespmem:s26+$0x10800] =	vst v63  }
0x8b: {  	s28 =	sadd.s32 $0x30, s2;
	[tilespmem:s0+$0x0] =	vst v13  }
0x8c: {  	p2 =	sne.s32 s11, $0xF;
	s2 =	sor.u32 $0x100, s28;
	[tilespmem:s0+$0x80] =	vst v18  }
.Ltmp3:
0x8d: {  	[tilespmem:s2+$0x10800] =	vst v19;
	(pc) =	sbr.rel @p2 .LBB2_6-.Ltmp3, $4  }
0x8e: {  	s29 =	sshll.u32 s11, $0xC;
	s2 =	rddreg [dreg:$0xa]  }
0x8f: {  	s30 =	rddreg [dreg:$0x2];
	s1 =	sor.u32 $0x180, s28;
	s8 =	sadd.s32 s2, s29  }
0x90: {  	s31 =	simm.s32 $0x10800;
	[tilespmem:s1+$0x10800] =	vst v11;
	s2 =	simm.s32 $0x400;
	s0 =	sadd.s32 s30, s8  }
0x91: {  	[hbm4b:s0+s14] =	stream.strided.scatter [tilespmem:s31], [sflag:$0x5], $0x2000, s18, s14, $0x38;
	[tilespmem:$0x18800] =	vst v63  }
.Ltmp4:
0x92: {  	(pc) =	sbr.rel .LBB2_7-.Ltmp4, $4  }
0x93: {  	s0 =	simm.s32 $0x2  }
0x94: {  	_ =	swait.ge [sflag:s0], $0x4000  }
0x95: {  	[sflag:s0] =	ssyncset.done $0x0  }
0x96: {  	s18 =	simm.s32 $0x200;
	[sflag:s0] =	ssyncadd.s32 $0xFFFFC000  }
.LBB2_6:
0x97: {  	s0 =	rddreg [dreg:$0xb]  }
0x98: {  	s0 =	sadd.s32 s16, s0  }
0x99: {  	s1 =	rddreg [dreg:$0x0];
	s0 =	sshll.u32 s0, $0x9  }
.Ltmp5:
0x9a: {  	s31 =	simm.s32 $0x2;
	s0 =	sadd.s32 s1, s0;
	(pc) =	sbr.rel @p0 .LBB2_8-.Ltmp5, $4  }
0x9b: {  	[tilespmem:s19], [sflag:$0x1] =	stream.strided.gather [hbm4b:s0+s14], $0x4000, s2, s14, $0x38;
	[tilespmem:$0x18800] =	vst v63  }
0x9c: {  	_ =	swait.ge [sflag:s31], $0x4000  }
0x9d: {  	[sflag:s31] =	ssyncset.done $0x0  }
0x9e: {  	s18 =	simm.s32 $0x200;
	[sflag:s31] =	ssyncadd.s32 $0xFFFFC000  }
.LBB2_7:
0x9f: {  	s0 =	simm.s32 $0x6  }
0xa0: {  	_ =	swait.ge [sflag:s0], $0x2000  }
0xa1: {  	[sflag:s0] =	ssyncset.done $0x0  }
0xa2: {  	[sflag:s0] =	ssyncadd.s32 $0xFFFFE000  }
.LBB2_8:
0xa3: {  	s0 =	simm.s32 $0x0  }
0xa4: {  	v0 =	vld [tilespmem:s0+$0x0]  }
0xa5: {  	s4 =	simm.s32 $0x0  }
0xa6: {  	s3 =	sand.u32 $0x40, s4  }
0xa7: {  	s25 =	sand.u32 $0x780, s4;
	s23 =	sor.u32 $0x30, s3  }
0xa8: {  	s1 =	sor.u32 s23, s25  }
0xa9: {  	v2 =	vld [tilespmem:s1+$0x0];
	v1 =	vshll.u32 v0, $0x2  }
0xaa: {  	v0 =	vand.u32 $0x7F, v0;
	v1 =	vand.u32 $0xFFFFFE00, v1  }
0xab: {  	v0 =	vor.u32 v0, v1  }
0xac: {  	s26 =	sor.u32 $0x10, s3;
	v1 =	vor.u32 $0x80, v0  }
0xad: {  	s6 =	sor.u32 $0x20, s3;
	s2 =	sor.u32 s26, s25;
	v3 =	vor.u32 $0x100, v0  }
0xae: {  	s0 =	sor.u32 s6, s25;
	v4 =	vld [tilespmem:s2+$0x0];
	v5 =	vshll.u32 v2, $0x2  }
0xaf: {  	v8 =	vld [tilespmem:s0+$0x0];
	v6 =	vor.u32 $0x180, v0;
	v2 =	vand.u32 $0x7F, v2;
	v5 =	vand.u32 $0xFFFFFE00, v5  }
0xb0: {  	v7 =	vld.idx.msk [tilespmem:v0+s20+$0x0], $0xffff;
	v0 =	vor.u32 v2, v5  }
0xb1: {  	v5 =	vld.idx.msk [tilespmem:v1+s20+$0x0], $0xffff;
	v1 =	vor.u32 $0x180, v0  }
0xb2: {  	s2 =	simm.s32 $0x40;
	v11 =	vld.idx.msk [tilespmem:v3+s20+$0x0], $0xffff;
	v3 =	vor.u32 $0x100, v0  }
0xb3: {  	v12 =	vld [tilespmem:s2+$0x0];
	v2 =	vshll.u32 v4, $0x2  }
0xb4: {  	s5 =	simm.s32 $0x40;
	v4 =	vand.u32 $0x7F, v4;
	v13 =	vld.idx.msk [tilespmem:v6+s20+$0x0], $0xffff;
	v2 =	vand.u32 $0xFFFFFE00, v2;
	v6 =	vor.u32 $0x80, v0  }
0xb5: {  	s10 =	sand.u32 $0x40, s5;
	v4 =	vor.u32 v4, v2;
	v2 =	vld.idx.msk [tilespmem:v0+s20+$0x0], $0xffff  }
0xb6: {  	s7 =	sand.u32 $0x780, s5;
	s5 =	sor.u32 $0x30, s10;
	v9 =	vor.u32 $0x180, v4;
	v0 =	vld.idx.msk [tilespmem:v1+s20+$0x0], $0xffff  }
0xb7: {  	s12 =	sor.u32 s5, s7;
	v1 =	vld.idx.msk [tilespmem:v3+s20+$0x0], $0xffff;
	v3 =	vshll.u32 v8, $0x2  }
0xb8: {  	v18 =	vld [tilespmem:s12+$0x0];
	v10 =	vor.u32 $0x80, v4;
	v8 =	vand.u32 $0x7F, v8;
	v14 =	vand.u32 $0xFFFFFE00, v3  }
0xb9: {  	v3 =	vld.idx.msk [tilespmem:v6+s20+$0x0], $0xffff;
	v6 =	vor.u32 v8, v14  }
0xba: {  	s9 =	sor.u32 $0x10, s10;
	v15 =	vld.idx.msk [tilespmem:v4+s20+$0x0], $0xffff;
	v4 =	vor.u32 $0x100, v4  }
0xbb: {  	s2 =	sor.u32 s9, s7;
	v20 =	vld.idx.msk [tilespmem:v9+s20+$0x0], $0xffff;
	v8 =	vor.u32 $0x100, v6  }
0xbc: {  	v14 =	vld [tilespmem:s2+$0x0];
	v9 =	vshll.u32 v12, $0x2;
	v16 =	vor.u32 $0x80, v6  }
0xbd: {  	v17 =	vld.idx.msk [tilespmem:v10+s20+$0x0], $0xffff;
	v12 =	vand.u32 $0x7F, v12;
	v10 =	vor.u32 $0x180, v6;
	v19 =	vand.u32 $0xFFFFFE00, v9  }
0xbe: {  	v9 =	vld.idx.msk [tilespmem:v6+s20+$0x0], $0xffff;
	v6 =	vor.u32 v12, v19  }
0xbf: {  	p1 =	por $0x0, $0x0;
	s13 =	sand.u32 $0x1E00, s4;
	s4 =	simm.s32 $0x1;
	v21 =	vld.idx.msk [tilespmem:v4+s20+$0x0], $0xffff;
	v19 =	vor.u32 $0x80, v6  }
0xc0: {  	s4 =	simm.s32 @!p1 $0x0;
	s29 =	sadd.s32 $0x12800, s13;
	v8 =	vld.idx.msk [tilespmem:v8+s20+$0x0], $0xffff;
	v22 =	vor.u32 $0x100, v6  }
0xc1: {  	s14 =	sshll.u32 s4, $0x6;
	s3 =	sor.u32 s3, s29;
	v4 =	vshll.u32 v18, $0x2;
	v12 =	vld.idx.msk [tilespmem:v16+s20+$0x0], $0xffff;
	v16 =	vor.u32 $0x180, v6  }
0xc2: {  	s4 =	sadd.s32 $0x0, s14;
	v18 =	vand.u32 $0x7F, v18;
	v23 =	vand.u32 $0xFFFFFE00, v4;
	v10 =	vld.idx.msk [tilespmem:v10+s20+$0x0], $0xffff;
	[tilespmem:s3+$0x0] =	vst v7  }
0xc3: {  	s2 =	sor.u32 $0x100, s4;
	v18 =	vor.u32 v18, v23;
	[tilespmem:s3+$0x80] =	vst v5;
	v4 =	vld.idx.msk [tilespmem:v6+s20+$0x0], $0xffff  }
0xc4: {  	s15 =	sor.u32 $0x180, s4;
	v23 =	vor.u32 $0x180, v18;
	[tilespmem:s2+$0x12800] =	vst v11;
	v5 =	vld.idx.msk [tilespmem:v19+s20+$0x0], $0xffff  }
0xc5: {  	s25 =	sor.u32 $0x20, s10;
	s17 =	sor.u32 s26, s29;
	[tilespmem:s15+$0x12800] =	vst v13;
	v6 =	vld.idx.msk [tilespmem:v22+s20+$0x0], $0xffff  }
0xc6: {  	s31 =	simm.s32 $0x80;
	s0 =	sor.u32 s25, s7;
	s7 =	sadd.s32 $0x10, s4;
	v11 =	vshll.u32 v14, $0x2;
	[tilespmem:s17+$0x0] =	vst v15;
	v7 =	vld.idx.msk [tilespmem:v16+s20+$0x0], $0xffff;
	v19 =	vor.u32 $0x100, v18  }
0xc7: {  	p1 =	por !p1, !p1;
	s6 =	sor.u32 s6, s29;
	s24 =	sor.u32 $0x100, s7;
	v13 =	vand.u32 $0x7F, v14;
	v11 =	vand.u32 $0xFFFFFE00, v11;
	[tilespmem:s17+$0x80] =	vst v17;
	v16 =	vld [tilespmem:s0+$0x0]  }
0xc8: {  	s1 =	simm.s32 $0x100;
	s28 =	sadd.s32 $0x20, s4;
	s26 =	sor.u32 $0x180, s7;
	v15 =	vor.u32 v13, v11;
	[tilespmem:s24+$0x12800] =	vst v21;
	v13 =	vld.idx.msk [tilespmem:v18+s20+$0x0], $0xffff;
	v18 =	vor.u32 $0x80, v18  }
0xc9: {  	s30 =	sor.u32 $0x100, s28;
	s4 =	sadd.s32 $0x30, s4;
	s2 =	simm.s32 $0x200;
	v14 =	vor.u32 $0x80, v15;
	v17 =	vor.u32 $0x180, v15;
	[tilespmem:s26+$0x12800] =	vst v20;
	v11 =	vld.idx.msk [tilespmem:v23+s20+$0x0], $0xffff  }
.LBB2_9:
0xca: {  	s13 =	sand.u32 $0x40, s31  }
0xcb: {  	s0 =	sshra.s32 s2, $0x2;
	v19 =	vld.idx.msk [tilespmem:v19+s20+$0x0], $0xffff;
	s24 =	smov.u32 s2;
	s26 =	sadd.s32 $0x100, s2  }
0xcc: {  	v20 =	vld [tilespmem:s0+$0x0];
	s12 =	sor.u32 $0x10, s13;
	s0 =	sand.u32 $0x780, s31;
	s7 =	sor.u32 $0x30, s13;
	v21 =	vshll.u32 v16, $0x2;
	[tilespmem:s6+$0x80] =	vst v12  }
0xcd: {  	s15 =	sor.u32 $0x20, s13;
	v12 =	vand.u32 $0x7F, v16;
	s14 =	sor.u32 s12, s0;
	s17 =	sor.u32 s7, s0;
	v16 =	vand.u32 $0xFFFFFE00, v21;
	v18 =	vld.idx.msk [tilespmem:v18+s20+$0x0], $0xffff;
	[tilespmem:s6+$0x0] =	vst v9  }
0xce: {  	p3 =	sne.s32 s2, $0x1F00;
	s3 =	sor.u32 s15, s0;
	s0 =	sor.u32 $0x180, s28;
	v21 =	vld.idx.msk [tilespmem:v15+s20+$0x0], $0xffff;
	v9 =	vor.u32 v12, v16;
	[tilespmem:s30+$0x12800] =	vst v8  }
0xcf: {  	v12 =	vor.u32 $0x100, v15;
	v22 =	vld.idx.msk [tilespmem:v17+s20+$0x0], $0xffff;
	v15 =	vor.u32 $0x80, v9;
	v8 =	vor.u32 $0x100, v9;
	[tilespmem:s0+$0x12800] =	vst v10;
	s0 =	sor.u32 s23, s29;
	s23 =	smov.u32 s5;
	s5 =	smov.u32 s7  }
0xd0: {  	s2 =	sor.u32 $0x100, s4;
	v10 =	vor.u32 $0x180, v9;
	v17 =	vld [tilespmem:s14+$0x0];
	[tilespmem:s0+$0x0] =	vst v2;
	v2 =	vmov v13  }
0xd1: {  	v13 =	vshll.u32 v20, $0x2;
	v14 =	vld.idx.msk [tilespmem:v14+s20+$0x0], $0xffff;
	[tilespmem:s0+$0x80] =	vst v3;
	s0 =	sor.u32 $0x180, s4  }
0xd2: {  	v20 =	vand.u32 $0x7F, v20;
	v16 =	vld [tilespmem:s17+$0x0];
	v13 =	vand.u32 $0xFFFFFE00, v13;
	[tilespmem:s2+$0x12800] =	vst v1;
	v1 =	vmov v19  }
0xd3: {  	v3 =	vmov v18;
	v13 =	vor.u32 v20, v13;
	v9 =	vld.idx.msk [tilespmem:v9+s20+$0x0], $0xffff;
	[tilespmem:s0+$0x12800] =	vst v0;
	v0 =	vmov v11  }
0xd4: {  	v11 =	vor.u32 $0x80, v13;
	v8 =	vld.idx.msk [tilespmem:v8+s20+$0x0], $0xffff  }
0xd5: {  	s2 =	simm.s32 $0x1;
	s0 =	sand.u32 $0x1E00, s1;
	v18 =	vor.u32 $0x100, v13;
	v20 =	vld.idx.msk [tilespmem:v12+s20+$0x0], $0xffff  }
0xd6: {  	s2 =	simm.s32 @!p1 $0x0;
	v23 =	vor.u32 $0x180, v13;
	s29 =	sadd.s32 $0x12800, s0;
	v12 =	vld.idx.msk [tilespmem:v15+s20+$0x0], $0xffff  }
0xd7: {  	s0 =	sshll.u32 s2, $0x6;
	s2 =	sor.u32 s10, s29;
	s6 =	sor.u32 s25, s29;
	v15 =	vshll.u32 v16, $0x2;
	v10 =	vld.idx.msk [tilespmem:v10+s20+$0x0], $0xffff  }
0xd8: {  	s0 =	sadd.s32 s0, s1;
	s10 =	smov.u32 s13;
	s1 =	smov.u32 s24;
	v16 =	vand.u32 $0x7F, v16;
	v15 =	vand.u32 $0xFFFFFE00, v15;
	[tilespmem:s2+$0x0] =	vst v4;
	v4 =	vld.idx.msk [tilespmem:v13+s20+$0x0], $0xffff  }
0xd9: {  	s7 =	sadd.s32 $0x10, s0;
	s28 =	sadd.s32 $0x20, s0;
	v13 =	vor.u32 v16, v15;
	[tilespmem:s2+$0x80] =	vst v5;
	v5 =	vld.idx.msk [tilespmem:v11+s20+$0x0], $0xffff;
	s2 =	sor.u32 $0x100, s0  }
0xda: {  	s25 =	smov.u32 s15;
	s4 =	sadd.s32 $0x30, s0;
	v11 =	vor.u32 $0x180, v13;
	[tilespmem:s2+$0x12800] =	vst v6;
	v6 =	vld.idx.msk [tilespmem:v18+s20+$0x0], $0xffff;
	s2 =	sor.u32 $0x180, s0  }
.Ltmp6:
0xdb: {  	v19 =	vor.u32 $0x100, v13;
	s0 =	sor.u32 s9, s29;
	s9 =	smov.u32 s12;
	[tilespmem:s2+$0x12800] =	vst v7;
	v7 =	vld.idx.msk [tilespmem:v23+s20+$0x0], $0xffff;
	(pc) =	sbr.rel @p3 .LBB2_9-.Ltmp6, $4  }
0xdc: {  	v15 =	vshll.u32 v17, $0x2;
	v16 =	vld [tilespmem:s3+$0x0];
	[tilespmem:s0+$0x0] =	vst v21  }
0xdd: {  	v17 =	vand.u32 $0x7F, v17;
	v15 =	vand.u32 $0xFFFFFE00, v15;
	v18 =	vor.u32 $0x80, v13;
	[tilespmem:s0+$0x80] =	vst v14;
	s0 =	sor.u32 $0x100, s7  }
0xde: {  	s31 =	sadd.s32 $0x40, s31;
	v15 =	vor.u32 v17, v15;
	v13 =	vld.idx.msk [tilespmem:v13+s20+$0x0], $0xffff;
	[tilespmem:s0+$0x12800] =	vst v20;
	s0 =	sor.u32 $0x180, s7  }
0xdf: {  	p1 =	por !p1, !p1;
	s30 =	sor.u32 $0x100, s28;
	s2 =	smov.u32 s26;
	v17 =	vor.u32 $0x180, v15;
	v14 =	vor.u32 $0x80, v15;
	v11 =	vld.idx.msk [tilespmem:v11+s20+$0x0], $0xffff;
	[tilespmem:s0+$0x12800] =	vst v22  }
0xe0: {  	_ =	sdelay $0x2  }
0xe1: {  	v20 =	vshll.u32 v16, $0x2  }
0xe2: {  	[tilespmem:s6+$0x80] =	vst v12;
	v12 =	vld.idx.msk [tilespmem:v15+s20+$0x0], $0xffff;
	v15 =	vor.u32 $0x100, v15;
	v16 =	vand.u32 $0x7F, v16;
	v20 =	vand.u32 $0xFFFFFE00, v20  }
0xe3: {  	v19 =	vld.idx.msk [tilespmem:v19+s20+$0x0], $0xffff;
	v16 =	vor.u32 v16, v20  }
0xe4: {  	v18 =	vld.idx.msk [tilespmem:v18+s20+$0x0], $0xffff;
	[tilespmem:s6+$0x0] =	vst v9;
	v20 =	vor.u32 $0x100, v16  }
0xe5: {  	v9 =	vld.idx.msk [tilespmem:v17+s20+$0x0], $0xffff;
	s0 =	sor.u32 $0x180, s28;
	[tilespmem:s30+$0x12800] =	vst v8;
	v17 =	vor.u32 $0x80, v16  }
0xe6: {  	v14 =	vld.idx.msk [tilespmem:v14+s20+$0x0], $0xffff;
	s24 =	sor.u32 s23, s29;
	[tilespmem:s0+$0x12800] =	vst v10;
	v8 =	vor.u32 $0x180, v16  }
0xe7: {  	[tilespmem:s24+$0x80] =	vst v3;
	v3 =	vld.idx.msk [tilespmem:v15+s20+$0x0], $0xffff  }
0xe8: {  	s2 =	sor.u32 $0x100, s4;
	s26 =	sand.u32 $0x1E00, s1;
	s3 =	simm.s32 $0x1;
	[tilespmem:s24+$0x0] =	vst v2;
	v10 =	vld.idx.msk [tilespmem:v16+s20+$0x0], $0xffff  }
0xe9: {  	s6 =	sor.u32 $0x180, s4;
	s3 =	simm.s32 @!p1 $0x0;
	s0 =	sadd.s32 $0x12800, s26;
	[tilespmem:s2+$0x12800] =	vst v1;
	v2 =	vld.idx.msk [tilespmem:v20+s20+$0x0], $0xffff  }
0xea: {  	s7 =	sshll.u32 s3, $0x6;
	s10 =	sor.u32 s10, s0;
	[tilespmem:s6+$0x12800] =	vst v0;
	v1 =	vld.idx.msk [tilespmem:v17+s20+$0x0], $0xffff  }
0xeb: {  	s12 =	sadd.s32 s7, s1;
	v0 =	vld.idx.msk [tilespmem:v8+s20+$0x0], $0xffff;
	[tilespmem:s10+$0x0] =	vst v4  }
0xec: {  	s2 =	sor.u32 $0x100, s12;
	[tilespmem:s10+$0x80] =	vst v5  }
0xed: {  	s13 =	sor.u32 $0x180, s12;
	[tilespmem:s2+$0x12800] =	vst v6  }
0xee: {  	s14 =	sor.u32 s9, s0;
	[tilespmem:s13+$0x12800] =	vst v7  }
0xef: {  	s15 =	sadd.s32 $0x10, s12;
	[tilespmem:s14+$0x0] =	vst v12  }
0xf0: {  	s17 =	sor.u32 $0x100, s15;
	[tilespmem:s14+$0x80] =	vst v14  }
0xf1: {  	s23 =	sor.u32 $0x180, s15;
	[tilespmem:s17+$0x12800] =	vst v3  }
0xf2: {  	s24 =	sor.u32 s25, s0;
	[tilespmem:s23+$0x12800] =	vst v9  }
0xf3: {  	s25 =	sadd.s32 $0x20, s12;
	[tilespmem:s24+$0x80] =	vst v1  }
0xf4: {  	s26 =	sor.u32 $0x100, s25;
	[tilespmem:s24+$0x0] =	vst v10  }
0xf5: {  	s2 =	sor.u32 $0x180, s25;
	[tilespmem:s26+$0x12800] =	vst v2  }
0xf6: {  	s0 =	sor.u32 s5, s0;
	[tilespmem:s2+$0x12800] =	vst v0  }
0xf7: {  	s1 =	sadd.s32 $0x30, s12;
	[tilespmem:s0+$0x0] =	vst v13  }
0xf8: {  	s4 =	sor.u32 $0x100, s1;
	[tilespmem:s0+$0x80] =	vst v18  }
0xf9: {  	s5 =	sor.u32 $0x180, s1;
	[tilespmem:s4+$0x12800] =	vst v19  }
0xfa: {  	[tilespmem:s5+$0x12800] =	vst v11  }
0xfb: {  	s0 =	rddreg [dreg:$0xc]  }
0xfc: {  	s7 =	simm.s32 $0x12800;
	s6 =	simm.s32 $0x400;
	s0 =	sadd.s32 s8, s0  }
0xfd: {  	[hbm4b:s0+s18] =	stream.strided.scatter [tilespmem:s7], [sflag:$0x6], $0x2000, s6, s18, $0x38;
	[tilespmem:$0x18800] =	vst v63  }
0xfe: {  	p1 =	seq.s32 s11, $0xF;
	s0 =	rddreg [dreg:$0xb]  }
0xff: {  	s0 =	sadd.s32 @!p1 s16, s0  }
0x100: {  	s3 =	simm.s32 @!p1 $0x4800;
	s0 =	sshll.u32 @!p1 s0, $0x9  }
0x101: {  	s2 =	simm.s32 @!p1 $0x400;
	s1 =	rddreg [dreg:$0x5];
	s0 =	sand.u32 @!p1 $0x7FE000, s0  }
0x102: {  	s8 =	simm.s32 $0x3;
	s0 =	sadd.s32 @!p1 s0, s1;
	s1 =	simm.s32 @!p1 $0x200  }
0x103: {  	[tilespmem:s3], [sflag:$0x2] =	stream.strided.gather @!p1 [hbm4b:s0+s1], $0x4000, s2, s1, $0x38;
	[tilespmem:$0x18800] =	vst v63  }
0x104: {  	_ =	swait.ge [sflag:s8], $0x4000  }
0x105: {  	[sflag:s8] =	ssyncset.done $0x0  }
0x106: {  	s0 =	simm.s32 @!p0 $0x7;
	[sflag:s8] =	ssyncadd.s32 $0xFFFFC000  }
0x107: {  	_ =	swait.ge @!p0 [sflag:s0], $0x2000  }
0x108: {  	[sflag:s0] =	ssyncset.done @!p0 $0x0  }
0x109: {  	s9 =	simm.s32 $0x0;
	[sflag:s0] =	ssyncadd.s32 @!p0 $0xFFFFE000  }
0x10a: {  	v0 =	vld [tilespmem:s9+$0x0]  }
0x10b: {  	s10 =	simm.s32 $0x0  }
0x10c: {  	s12 =	sand.u32 $0x40, s10  }
0x10d: {  	s13 =	sand.u32 $0x780, s10;
	s8 =	sor.u32 $0x30, s12  }
0x10e: {  	s14 =	sor.u32 s8, s13  }
0x10f: {  	v2 =	vld [tilespmem:s14+$0x0];
	v1 =	vshll.u32 v0, $0x2  }
0x110: {  	v0 =	vand.u32 $0x7F, v0;
	v1 =	vand.u32 $0xFFFFFE00, v1  }
0x111: {  	v0 =	vor.u32 v0, v1  }
0x112: {  	s1 =	sor.u32 $0x10, s12;
	v1 =	vor.u32 $0x80, v0  }
0x113: {  	s17 =	sor.u32 $0x20, s12;
	s15 =	sor.u32 s1, s13;
	v3 =	vor.u32 $0x100, v0  }
0x114: {  	s0 =	sor.u32 s17, s13;
	v4 =	vld [tilespmem:s15+$0x0];
	v5 =	vshll.u32 v2, $0x2  }
0x115: {  	v8 =	vld [tilespmem:s0+$0x0];
	v2 =	vand.u32 $0x7F, v2;
	v5 =	vand.u32 $0xFFFFFE00, v5;
	v6 =	vor.u32 $0x180, v0  }
0x116: {  	v7 =	vld.idx.msk [tilespmem:v0+s21+$0x0], $0xffff;
	v0 =	vor.u32 v2, v5  }
0x117: {  	v5 =	vld.idx.msk [tilespmem:v1+s21+$0x0], $0xffff;
	v1 =	vor.u32 $0x180, v0  }
0x118: {  	s24 =	simm.s32 $0x40;
	v11 =	vld.idx.msk [tilespmem:v3+s21+$0x0], $0xffff;
	v3 =	vor.u32 $0x100, v0  }
0x119: {  	v12 =	vld [tilespmem:s24+$0x0];
	v2 =	vshll.u32 v4, $0x2  }
0x11a: {  	s25 =	simm.s32 $0x40;
	v4 =	vand.u32 $0x7F, v4;
	v13 =	vld.idx.msk [tilespmem:v6+s21+$0x0], $0xffff;
	v2 =	vand.u32 $0xFFFFFE00, v2;
	v6 =	vor.u32 $0x80, v0  }
0x11b: {  	s9 =	sand.u32 $0x40, s25;
	v4 =	vor.u32 v4, v2;
	v2 =	vld.idx.msk [tilespmem:v0+s21+$0x0], $0xffff  }
0x11c: {  	s26 =	sand.u32 $0x780, s25;
	s23 =	sor.u32 $0x30, s9;
	v9 =	vor.u32 $0x180, v4;
	v0 =	vld.idx.msk [tilespmem:v1+s21+$0x0], $0xffff  }
0x11d: {  	s7 =	sor.u32 s23, s26;
	v1 =	vld.idx.msk [tilespmem:v3+s21+$0x0], $0xffff;
	v3 =	vshll.u32 v8, $0x2  }
0x11e: {  	v18 =	vld [tilespmem:s7+$0x0];
	v10 =	vor.u32 $0x80, v4;
	v8 =	vand.u32 $0x7F, v8;
	v14 =	vand.u32 $0xFFFFFE00, v3  }
0x11f: {  	v3 =	vld.idx.msk [tilespmem:v6+s21+$0x0], $0xffff;
	v6 =	vor.u32 v8, v14  }
0x120: {  	s5 =	sor.u32 $0x10, s9;
	v15 =	vld.idx.msk [tilespmem:v4+s21+$0x0], $0xffff;
	v4 =	vor.u32 $0x100, v4  }
0x121: {  	s6 =	sor.u32 s5, s26;
	v20 =	vld.idx.msk [tilespmem:v9+s21+$0x0], $0xffff;
	v8 =	vor.u32 $0x100, v6  }
0x122: {  	v14 =	vld [tilespmem:s6+$0x0];
	v9 =	vshll.u32 v12, $0x2;
	v16 =	vor.u32 $0x80, v6  }
0x123: {  	v17 =	vld.idx.msk [tilespmem:v10+s21+$0x0], $0xffff;
	v12 =	vand.u32 $0x7F, v12;
	v10 =	vor.u32 $0x180, v6;
	v19 =	vand.u32 $0xFFFFFE00, v9  }
0x124: {  	v9 =	vld.idx.msk [tilespmem:v6+s21+$0x0], $0xffff;
	v6 =	vor.u32 v12, v19  }
0x125: {  	p3 =	por $0x0, $0x0;
	s4 =	sand.u32 $0x1E00, s10;
	s6 =	simm.s32 $0x1;
	v21 =	vld.idx.msk [tilespmem:v4+s21+$0x0], $0xffff;
	v19 =	vor.u32 $0x80, v6  }
0x126: {  	s29 =	sadd.s32 $0x14800, s4;
	s6 =	simm.s32 @!p3 $0x0;
	v8 =	vld.idx.msk [tilespmem:v8+s21+$0x0], $0xffff;
	v22 =	vor.u32 $0x100, v6  }
0x127: {  	s3 =	sor.u32 s12, s29;
	s10 =	sshll.u32 s6, $0x6;
	v4 =	vshll.u32 v18, $0x2;
	v12 =	vld.idx.msk [tilespmem:v16+s21+$0x0], $0xffff;
	v16 =	vor.u32 $0x180, v6  }
0x128: {  	s4 =	sadd.s32 $0x0, s10;
	v18 =	vand.u32 $0x7F, v18;
	v23 =	vand.u32 $0xFFFFFE00, v4;
	v10 =	vld.idx.msk [tilespmem:v10+s21+$0x0], $0xffff;
	[tilespmem:s3+$0x0] =	vst v7  }
0x129: {  	s12 =	sor.u32 $0x100, s4;
	v18 =	vor.u32 v18, v23;
	[tilespmem:s3+$0x80] =	vst v5;
	v4 =	vld.idx.msk [tilespmem:v6+s21+$0x0], $0xffff  }
0x12a: {  	s31 =	simm.s32 $0x80;
	s18 =	simm.s32 $0x400;
	s13 =	sor.u32 $0x180, s4;
	v23 =	vor.u32 $0x180, v18;
	[tilespmem:s12+$0x14800] =	vst v11;
	v5 =	vld.idx.msk [tilespmem:v19+s21+$0x0], $0xffff  }
0x12b: {  	s15 =	sor.u32 s1, s29;
	s25 =	sor.u32 $0x20, s9;
	s14 =	rddreg [dreg:$0x4];
	[tilespmem:s13+$0x14800] =	vst v13;
	v6 =	vld.idx.msk [tilespmem:v22+s21+$0x0], $0xffff  }
0x12c: {  	s1 =	simm.s32 $0x100;
	s0 =	sor.u32 s25, s26;
	s7 =	sadd.s32 $0x10, s4;
	v11 =	vshll.u32 v14, $0x2;
	[tilespmem:s15+$0x0] =	vst v15;
	v7 =	vld.idx.msk [tilespmem:v16+s21+$0x0], $0xffff;
	v19 =	vor.u32 $0x100, v18  }
0x12d: {  	s26 =	simm.s32 $0x200;
	s6 =	sor.u32 s17, s29;
	s17 =	sor.u32 $0x100, s7;
	v13 =	vand.u32 $0x7F, v14;
	v11 =	vand.u32 $0xFFFFFE00, v11;
	[tilespmem:s15+$0x80] =	vst v17;
	v16 =	vld [tilespmem:s0+$0x0]  }
0x12e: {  	p3 =	por !p3, !p3;
	s28 =	sadd.s32 $0x20, s4;
	s24 =	sor.u32 $0x180, s7;
	v15 =	vor.u32 v13, v11;
	[tilespmem:s17+$0x14800] =	vst v21;
	v13 =	vld.idx.msk [tilespmem:v18+s21+$0x0], $0xffff;
	v18 =	vor.u32 $0x80, v18  }
0x12f: {  	s4 =	sadd.s32 $0x30, s4;
	s30 =	sor.u32 $0x100, s28;
	s10 =	sor.u32 s16, s14;
	v14 =	vor.u32 $0x80, v15;
	v17 =	vor.u32 $0x180, v15;
	[tilespmem:s24+$0x14800] =	vst v20;
	v11 =	vld.idx.msk [tilespmem:v23+s21+$0x0], $0xffff  }
.LBB2_11:
0x130: {  	s13 =	sand.u32 $0x40, s31  }
0x131: {  	s0 =	sshra.s32 s26, $0x2;
	v19 =	vld.idx.msk [tilespmem:v19+s21+$0x0], $0xffff;
	s24 =	smov.u32 s26;
	s2 =	sadd.s32 $0x100, s26  }
0x132: {  	v20 =	vld [tilespmem:s0+$0x0];
	s12 =	sor.u32 $0x10, s13;
	s0 =	sand.u32 $0x780, s31;
	s7 =	sor.u32 $0x30, s13;
	v21 =	vshll.u32 v16, $0x2;
	[tilespmem:s6+$0x80] =	vst v12  }
0x133: {  	s15 =	sor.u32 $0x20, s13;
	v12 =	vand.u32 $0x7F, v16;
	s14 =	sor.u32 s12, s0;
	s17 =	sor.u32 s7, s0;
	v16 =	vand.u32 $0xFFFFFE00, v21;
	v18 =	vld.idx.msk [tilespmem:v18+s21+$0x0], $0xffff;
	[tilespmem:s6+$0x0] =	vst v9  }
0x134: {  	p4 =	sne.s32 s26, $0x1F00;
	s3 =	sor.u32 s15, s0;
	s0 =	sor.u32 $0x180, s28;
	v21 =	vld.idx.msk [tilespmem:v15+s21+$0x0], $0xffff;
	v9 =	vor.u32 v12, v16;
	[tilespmem:s30+$0x14800] =	vst v8  }
0x135: {  	v12 =	vor.u32 $0x100, v15;
	v22 =	vld.idx.msk [tilespmem:v17+s21+$0x0], $0xffff;
	v15 =	vor.u32 $0x80, v9;
	v8 =	vor.u32 $0x100, v9;
	[tilespmem:s0+$0x14800] =	vst v10;
	s0 =	sor.u32 s8, s29;
	s8 =	smov.u32 s23;
	s23 =	smov.u32 s7  }
0x136: {  	s6 =	sor.u32 $0x100, s4;
	v10 =	vor.u32 $0x180, v9;
	v17 =	vld [tilespmem:s14+$0x0];
	[tilespmem:s0+$0x0] =	vst v2;
	v2 =	vmov v13  }
0x137: {  	v13 =	vshll.u32 v20, $0x2;
	v14 =	vld.idx.msk [tilespmem:v14+s21+$0x0], $0xffff;
	[tilespmem:s0+$0x80] =	vst v3;
	s0 =	sor.u32 $0x180, s4  }
0x138: {  	v20 =	vand.u32 $0x7F, v20;
	v16 =	vld [tilespmem:s17+$0x0];
	v13 =	vand.u32 $0xFFFFFE00, v13;
	[tilespmem:s6+$0x14800] =	vst v1;
	v1 =	vmov v19  }
0x139: {  	v3 =	vmov v18;
	v13 =	vor.u32 v20, v13;
	v9 =	vld.idx.msk [tilespmem:v9+s21+$0x0], $0xffff;
	[tilespmem:s0+$0x14800] =	vst v0;
	v0 =	vmov v11  }
0x13a: {  	v11 =	vor.u32 $0x80, v13;
	v8 =	vld.idx.msk [tilespmem:v8+s21+$0x0], $0xffff  }
0x13b: {  	s4 =	simm.s32 $0x1;
	s0 =	sand.u32 $0x1E00, s1;
	v18 =	vor.u32 $0x100, v13;
	v20 =	vld.idx.msk [tilespmem:v12+s21+$0x0], $0xffff  }
0x13c: {  	s4 =	simm.s32 @!p3 $0x0;
	v23 =	vor.u32 $0x180, v13;
	s29 =	sadd.s32 $0x14800, s0;
	v12 =	vld.idx.msk [tilespmem:v15+s21+$0x0], $0xffff  }
0x13d: {  	s0 =	sshll.u32 s4, $0x6;
	s4 =	sor.u32 s9, s29;
	s6 =	sor.u32 s25, s29;
	v15 =	vshll.u32 v16, $0x2;
	v10 =	vld.idx.msk [tilespmem:v10+s21+$0x0], $0xffff  }
0x13e: {  	s0 =	sadd.s32 s0, s1;
	s9 =	smov.u32 s13;
	s1 =	smov.u32 s24;
	v16 =	vand.u32 $0x7F, v16;
	v15 =	vand.u32 $0xFFFFFE00, v15;
	[tilespmem:s4+$0x0] =	vst v4;
	v4 =	vld.idx.msk [tilespmem:v13+s21+$0x0], $0xffff  }
0x13f: {  	s7 =	sadd.s32 $0x10, s0;
	s28 =	sadd.s32 $0x20, s0;
	v13 =	vor.u32 v16, v15;
	[tilespmem:s4+$0x80] =	vst v5;
	v5 =	vld.idx.msk [tilespmem:v11+s21+$0x0], $0xffff;
	s4 =	sor.u32 $0x100, s0  }
0x140: {  	s25 =	smov.u32 s15;
	s13 =	sor.u32 $0x180, s0;
	v11 =	vor.u32 $0x180, v13;
	[tilespmem:s4+$0x14800] =	vst v6;
	v6 =	vld.idx.msk [tilespmem:v18+s21+$0x0], $0xffff;
	s4 =	sadd.s32 $0x30, s0  }
.Ltmp7:
0x141: {  	v19 =	vor.u32 $0x100, v13;
	s0 =	sor.u32 s5, s29;
	s5 =	smov.u32 s12;
	[tilespmem:s13+$0x14800] =	vst v7;
	v7 =	vld.idx.msk [tilespmem:v23+s21+$0x0], $0xffff;
	(pc) =	sbr.rel @p4 .LBB2_11-.Ltmp7, $4  }
0x142: {  	v15 =	vshll.u32 v17, $0x2;
	v16 =	vld [tilespmem:s3+$0x0];
	[tilespmem:s0+$0x0] =	vst v21  }
0x143: {  	v17 =	vand.u32 $0x7F, v17;
	v15 =	vand.u32 $0xFFFFFE00, v15;
	v18 =	vor.u32 $0x80, v13;
	[tilespmem:s0+$0x80] =	vst v14;
	s0 =	sor.u32 $0x100, s7  }
0x144: {  	s31 =	sadd.s32 $0x40, s31;
	v15 =	vor.u32 v17, v15;
	v13 =	vld.idx.msk [tilespmem:v13+s21+$0x0], $0xffff;
	[tilespmem:s0+$0x14800] =	vst v20;
	s0 =	sor.u32 $0x180, s7  }
0x145: {  	s26 =	smov.u32 s2;
	p3 =	por !p3, !p3;
	s30 =	sor.u32 $0x100, s28;
	v17 =	vor.u32 $0x180, v15;
	v14 =	vor.u32 $0x80, v15;
	v11 =	vld.idx.msk [tilespmem:v11+s21+$0x0], $0xffff;
	[tilespmem:s0+$0x14800] =	vst v22  }
0x146: {  	_ =	sdelay $0x2  }
0x147: {  	v20 =	vshll.u32 v16, $0x2  }
0x148: {  	v19 =	vld.idx.msk [tilespmem:v19+s21+$0x0], $0xffff;
	v55 =	vor.u32 $0x100, v15;
	v53 =	vand.u32 $0x7F, v16;
	v20 =	vand.u32 $0xFFFFFE00, v20  }
0x149: {  	v18 =	vld.idx.msk [tilespmem:v18+s21+$0x0], $0xffff;
	[tilespmem:s6+$0x80] =	vst v12;
	v16 =	vor.u32 v53, v20  }
0x14a: {  	v54 =	vld.idx.msk [tilespmem:v15+s21+$0x0], $0xffff;
	[tilespmem:s6+$0x0] =	vst v9;
	v20 =	vor.u32 $0x100, v16  }
0x14b: {  	v56 =	vld.idx.msk [tilespmem:v17+s21+$0x0], $0xffff;
	s0 =	sor.u32 $0x180, s28;
	[tilespmem:s30+$0x14800] =	vst v8;
	v57 =	vor.u32 $0x80, v16  }
0x14c: {  	v14 =	vld.idx.msk [tilespmem:v14+s21+$0x0], $0xffff;
	s30 =	sor.u32 s8, s29;
	[tilespmem:s0+$0x14800] =	vst v10;
	v58 =	vor.u32 $0x180, v16  }
0x14d: {  	[tilespmem:s30+$0x0] =	vst v2;
	v61 =	vld.idx.msk [tilespmem:v55+s21+$0x0], $0xffff  }
0x14e: {  	s2 =	sor.u32 $0x100, s4;
	s31 =	sand.u32 $0x1E00, s1;
	s3 =	simm.s32 $0x1;
	[tilespmem:s30+$0x80] =	vst v3;
	v59 =	vld.idx.msk [tilespmem:v16+s21+$0x0], $0xffff  }
0x14f: {  	s6 =	sor.u32 $0x180, s4;
	s3 =	simm.s32 @!p3 $0x0;
	s0 =	sadd.s32 $0x14800, s31;
	[tilespmem:s2+$0x14800] =	vst v1;
	v60 =	vld.idx.msk [tilespmem:v20+s21+$0x0], $0xffff  }
0x150: {  	s7 =	sshll.u32 s3, $0x6;
	s8 =	sor.u32 s9, s0;
	[tilespmem:s6+$0x14800] =	vst v0;
	v62 =	vld.idx.msk [tilespmem:v57+s21+$0x0], $0xffff  }
0x151: {  	s9 =	sadd.s32 s7, s1;
	v63 =	vld.idx.msk [tilespmem:v58+s21+$0x0], $0xffff;
	[tilespmem:s8+$0x0] =	vst v4  }
0x152: {  	s2 =	sor.u32 $0x100, s9;
	[tilespmem:s8+$0x80] =	vst v5  }
0x153: {  	s12 =	sor.u32 $0x180, s9;
	[tilespmem:s2+$0x14800] =	vst v6  }
0x154: {  	s13 =	sor.u32 s5, s0;
	[tilespmem:s12+$0x14800] =	vst v7  }
0x155: {  	s14 =	sadd.s32 $0x10, s9;
	[tilespmem:s13+$0x0] =	vst v54  }
0x156: {  	s15 =	sor.u32 $0x100, s14;
	[tilespmem:s13+$0x80] =	vst v14  }
0x157: {  	s17 =	sor.u32 $0x180, s14;
	[tilespmem:s15+$0x14800] =	vst v61  }
0x158: {  	s24 =	sor.u32 s25, s0;
	[tilespmem:s17+$0x14800] =	vst v56  }
0x159: {  	s25 =	sadd.s32 $0x20, s9;
	[tilespmem:s24+$0x80] =	vst v62  }
0x15a: {  	s26 =	sor.u32 $0x100, s25;
	[tilespmem:s24+$0x0] =	vst v59  }
0x15b: {  	s2 =	sor.u32 $0x180, s25;
	[tilespmem:s26+$0x14800] =	vst v60  }
0x15c: {  	s0 =	sor.u32 s23, s0;
	[tilespmem:s2+$0x14800] =	vst v63  }
.Ltmp8:
0x15d: {  	s1 =	sadd.s32 $0x30, s9;
	[tilespmem:s0+$0x0] =	vst v13;
	(pc) =	sbr.rel @p2 .LBB2_14-.Ltmp8, $4  }
0x15e: {  	s29 =	sshll.u32 s10, $0x8;
	s28 =	sor.u32 $0x100, s1;
	[tilespmem:s0+$0x80] =	vst v18  }
0x15f: {  	s30 =	rddreg [dreg:$0x2];
	s1 =	sor.u32 $0x180, s1;
	s8 =	sor.u32 $0x800, s29;
	[tilespmem:s28+$0x14800] =	vst v19  }
0x160: {  	s31 =	simm.s32 $0x14800;
	s2 =	simm.s32 $0x200;
	s0 =	sadd.s32 s30, s8;
	[tilespmem:s1+$0x14800] =	vst v11  }
0x161: {  	[hbm4b:s0+s2] =	stream.strided.scatter [tilespmem:s31], [sflag:$0x7], $0x2000, s18, s2, $0x38;
	[tilespmem:$0x18800] =	vst v63  }
.Ltmp9:
0x162: {  	(pc) =	sbr.rel .LBB2_15-.Ltmp9, $4  }
0x163: {  	s0 =	simm.s32 $0x4  }
0x164: {  	_ =	swait.ge [sflag:s0], $0x4000  }
0x165: {  	[sflag:s0] =	ssyncset.done $0x0  }
0x166: {  	[sflag:s0] =	ssyncadd.s32 $0xFFFFC000  }
.LBB2_14:
0x167: {  	s0 =	rddreg [dreg:$0xd]  }
0x168: {  	s0 =	sadd.s32 s16, s0  }
0x169: {  	s1 =	rddreg [dreg:$0x0];
	s0 =	sshll.u32 s0, $0x9  }
.Ltmp10:
0x16a: {  	s31 =	simm.s32 $0x4;
	s0 =	sadd.s32 s1, s0;
	(pc) =	sbr.rel @p0 .LBB2_16-.Ltmp10, $4  }
0x16b: {  	[tilespmem:s21], [sflag:$0x3] =	stream.strided.gather [hbm4b:s0+s2], $0x4000, s18, s2, $0x38;
	[tilespmem:$0x18800] =	vst v63  }
0x16c: {  	_ =	swait.ge [sflag:s31], $0x4000  }
0x16d: {  	[sflag:s31] =	ssyncset.done $0x0  }
0x16e: {  	[sflag:s31] =	ssyncadd.s32 $0xFFFFC000  }
.LBB2_15:
0x16f: {  	s0 =	simm.s32 $0x8  }
0x170: {  	_ =	swait.ge [sflag:s0], $0x2000  }
0x171: {  	[sflag:s0] =	ssyncset.done $0x0  }
0x172: {  	[sflag:s0] =	ssyncadd.s32 $0xFFFFE000  }
.LBB2_16:
0x173: {  	s0 =	simm.s32 $0x0  }
0x174: {  	v0 =	vld [tilespmem:s0+$0x0]  }
0x175: {  	s4 =	simm.s32 $0x0  }
0x176: {  	s3 =	sand.u32 $0x40, s4  }
0x177: {  	s15 =	sand.u32 $0x780, s4;
	s23 =	sor.u32 $0x30, s3  }
0x178: {  	s1 =	sor.u32 s23, s15  }
0x179: {  	v2 =	vld [tilespmem:s1+$0x0];
	v1 =	vshll.u32 v0, $0x2  }
0x17a: {  	v0 =	vand.u32 $0x7F, v0;
	v1 =	vand.u32 $0xFFFFFE00, v1  }
0x17b: {  	v0 =	vor.u32 v0, v1  }
0x17c: {  	s17 =	sor.u32 $0x10, s3;
	v1 =	vor.u32 $0x80, v0  }
0x17d: {  	s24 =	sor.u32 $0x20, s3;
	s2 =	sor.u32 s17, s15;
	v3 =	vor.u32 $0x100, v0  }
0x17e: {  	s0 =	sor.u32 s24, s15;
	v4 =	vld [tilespmem:s2+$0x0];
	v5 =	vshll.u32 v2, $0x2  }
0x17f: {  	v8 =	vld [tilespmem:s0+$0x0];
	v6 =	vor.u32 $0x180, v0;
	v2 =	vand.u32 $0x7F, v2;
	v5 =	vand.u32 $0xFFFFFE00, v5  }
0x180: {  	v7 =	vld.idx.msk [tilespmem:v0+s22+$0x0], $0xffff;
	v0 =	vor.u32 v2, v5  }
0x181: {  	v5 =	vld.idx.msk [tilespmem:v1+s22+$0x0], $0xffff;
	v1 =	vor.u32 $0x180, v0  }
0x182: {  	s25 =	simm.s32 $0x40;
	v11 =	vld.idx.msk [tilespmem:v3+s22+$0x0], $0xffff;
	v3 =	vor.u32 $0x100, v0  }
0x183: {  	v12 =	vld [tilespmem:s25+$0x0];
	v2 =	vshll.u32 v4, $0x2  }
0x184: {  	s5 =	simm.s32 $0x40;
	v4 =	vand.u32 $0x7F, v4;
	v13 =	vld.idx.msk [tilespmem:v6+s22+$0x0], $0xffff;
	v2 =	vand.u32 $0xFFFFFE00, v2;
	v6 =	vor.u32 $0x80, v0  }
0x185: {  	s10 =	sand.u32 $0x40, s5;
	v4 =	vor.u32 v4, v2;
	v2 =	vld.idx.msk [tilespmem:v0+s22+$0x0], $0xffff  }
0x186: {  	s26 =	sand.u32 $0x780, s5;
	s5 =	sor.u32 $0x30, s10;
	v9 =	vor.u32 $0x180, v4;
	v0 =	vld.idx.msk [tilespmem:v1+s22+$0x0], $0xffff  }
0x187: {  	s7 =	sor.u32 s5, s26;
	v1 =	vld.idx.msk [tilespmem:v3+s22+$0x0], $0xffff;
	v3 =	vshll.u32 v8, $0x2  }
0x188: {  	v18 =	vld [tilespmem:s7+$0x0];
	v10 =	vor.u32 $0x80, v4;
	v8 =	vand.u32 $0x7F, v8;
	v14 =	vand.u32 $0xFFFFFE00, v3  }
0x189: {  	v3 =	vld.idx.msk [tilespmem:v6+s22+$0x0], $0xffff;
	v6 =	vor.u32 v8, v14  }
0x18a: {  	s9 =	sor.u32 $0x10, s10;
	v15 =	vld.idx.msk [tilespmem:v4+s22+$0x0], $0xffff;
	v4 =	vor.u32 $0x100, v4  }
0x18b: {  	s6 =	sor.u32 s9, s26;
	v20 =	vld.idx.msk [tilespmem:v9+s22+$0x0], $0xffff;
	v8 =	vor.u32 $0x100, v6  }
0x18c: {  	v14 =	vld [tilespmem:s6+$0x0];
	v9 =	vshll.u32 v12, $0x2;
	v16 =	vor.u32 $0x80, v6  }
0x18d: {  	v17 =	vld.idx.msk [tilespmem:v10+s22+$0x0], $0xffff;
	v12 =	vand.u32 $0x7F, v12;
	v10 =	vor.u32 $0x180, v6;
	v19 =	vand.u32 $0xFFFFFE00, v9  }
0x18e: {  	v9 =	vld.idx.msk [tilespmem:v6+s22+$0x0], $0xffff;
	v6 =	vor.u32 v12, v19  }
0x18f: {  	p0 =	por $0x0, $0x0;
	s4 =	sand.u32 $0x1E00, s4;
	s6 =	simm.s32 $0x1;
	v21 =	vld.idx.msk [tilespmem:v4+s22+$0x0], $0xffff;
	v19 =	vor.u32 $0x80, v6  }
0x190: {  	s29 =	sadd.s32 $0x16800, s4;
	s6 =	simm.s32 @!p0 $0x0;
	v8 =	vld.idx.msk [tilespmem:v8+s22+$0x0], $0xffff;
	v22 =	vor.u32 $0x100, v6  }
0x191: {  	s3 =	sor.u32 s3, s29;
	s12 =	sshll.u32 s6, $0x6;
	v4 =	vshll.u32 v18, $0x2;
	v12 =	vld.idx.msk [tilespmem:v16+s22+$0x0], $0xffff;
	v16 =	vor.u32 $0x180, v6  }
0x192: {  	s4 =	sadd.s32 $0x0, s12;
	v18 =	vand.u32 $0x7F, v18;
	v23 =	vand.u32 $0xFFFFFE00, v4;
	v10 =	vld.idx.msk [tilespmem:v10+s22+$0x0], $0xffff;
	[tilespmem:s3+$0x0] =	vst v7  }
0x193: {  	s13 =	sor.u32 $0x100, s4;
	v18 =	vor.u32 v18, v23;
	[tilespmem:s3+$0x80] =	vst v5;
	v4 =	vld.idx.msk [tilespmem:v6+s22+$0x0], $0xffff  }
0x194: {  	s14 =	sor.u32 $0x180, s4;
	v23 =	vor.u32 $0x180, v18;
	[tilespmem:s13+$0x16800] =	vst v11;
	v5 =	vld.idx.msk [tilespmem:v19+s22+$0x0], $0xffff  }
0x195: {  	s25 =	sor.u32 $0x20, s10;
	s15 =	sor.u32 s17, s29;
	[tilespmem:s14+$0x16800] =	vst v13;
	v6 =	vld.idx.msk [tilespmem:v22+s22+$0x0], $0xffff  }
0x196: {  	s31 =	simm.s32 $0x80;
	s0 =	sor.u32 s25, s26;
	s7 =	sadd.s32 $0x10, s4;
	v11 =	vshll.u32 v14, $0x2;
	[tilespmem:s15+$0x0] =	vst v15;
	v7 =	vld.idx.msk [tilespmem:v16+s22+$0x0], $0xffff;
	v19 =	vor.u32 $0x100, v18  }
0x197: {  	s1 =	simm.s32 $0x100;
	s26 =	simm.s32 $0x200;
	s17 =	sor.u32 $0x100, s7;
	v13 =	vand.u32 $0x7F, v14;
	v11 =	vand.u32 $0xFFFFFE00, v11;
	[tilespmem:s15+$0x80] =	vst v17;
	v16 =	vld [tilespmem:s0+$0x0]  }
0x198: {  	s6 =	sor.u32 s24, s29;
	s28 =	sadd.s32 $0x20, s4;
	s24 =	sor.u32 $0x180, s7;
	v15 =	vor.u32 v13, v11;
	[tilespmem:s17+$0x16800] =	vst v21;
	v13 =	vld.idx.msk [tilespmem:v18+s22+$0x0], $0xffff;
	v18 =	vor.u32 $0x80, v18  }
0x199: {  	p0 =	por !p0, !p0;
	s4 =	sadd.s32 $0x30, s4;
	s30 =	sor.u32 $0x100, s28;
	v14 =	vor.u32 $0x80, v15;
	v17 =	vor.u32 $0x180, v15;
	[tilespmem:s24+$0x16800] =	vst v20;
	v11 =	vld.idx.msk [tilespmem:v23+s22+$0x0], $0xffff  }
.LBB2_17:
0x19a: {  	s13 =	sand.u32 $0x40, s31  }
0x19b: {  	s0 =	sshra.s32 s26, $0x2;
	v19 =	vld.idx.msk [tilespmem:v19+s22+$0x0], $0xffff;
	s24 =	smov.u32 s26;
	s2 =	sadd.s32 $0x100, s26  }
0x19c: {  	v20 =	vld [tilespmem:s0+$0x0];
	s12 =	sor.u32 $0x10, s13;
	s0 =	sand.u32 $0x780, s31;
	s7 =	sor.u32 $0x30, s13;
	v21 =	vshll.u32 v16, $0x2;
	[tilespmem:s6+$0x80] =	vst v12  }
0x19d: {  	s15 =	sor.u32 $0x20, s13;
	v12 =	vand.u32 $0x7F, v16;
	s14 =	sor.u32 s12, s0;
	s17 =	sor.u32 s7, s0;
	v16 =	vand.u32 $0xFFFFFE00, v21;
	v18 =	vld.idx.msk [tilespmem:v18+s22+$0x0], $0xffff;
	[tilespmem:s6+$0x0] =	vst v9  }
0x19e: {  	p2 =	sne.s32 s26, $0x1F00;
	s3 =	sor.u32 s15, s0;
	s0 =	sor.u32 $0x180, s28;
	v21 =	vld.idx.msk [tilespmem:v15+s22+$0x0], $0xffff;
	v9 =	vor.u32 v12, v16;
	[tilespmem:s30+$0x16800] =	vst v8  }
0x19f: {  	v12 =	vor.u32 $0x100, v15;
	v22 =	vld.idx.msk [tilespmem:v17+s22+$0x0], $0xffff;
	v15 =	vor.u32 $0x80, v9;
	v8 =	vor.u32 $0x100, v9;
	[tilespmem:s0+$0x16800] =	vst v10;
	s0 =	sor.u32 s23, s29;
	s23 =	smov.u32 s5;
	s5 =	smov.u32 s7  }
0x1a0: {  	s6 =	sor.u32 $0x100, s4;
	v10 =	vor.u32 $0x180, v9;
	v17 =	vld [tilespmem:s14+$0x0];
	[tilespmem:s0+$0x0] =	vst v2;
	v2 =	vmov v13  }
0x1a1: {  	v13 =	vshll.u32 v20, $0x2;
	v14 =	vld.idx.msk [tilespmem:v14+s22+$0x0], $0xffff;
	[tilespmem:s0+$0x80] =	vst v3;
	s0 =	sor.u32 $0x180, s4  }
0x1a2: {  	v20 =	vand.u32 $0x7F, v20;
	v16 =	vld [tilespmem:s17+$0x0];
	v13 =	vand.u32 $0xFFFFFE00, v13;
	[tilespmem:s6+$0x16800] =	vst v1;
	v1 =	vmov v19  }
0x1a3: {  	v3 =	vmov v18;
	v13 =	vor.u32 v20, v13;
	v9 =	vld.idx.msk [tilespmem:v9+s22+$0x0], $0xffff;
	[tilespmem:s0+$0x16800] =	vst v0;
	v0 =	vmov v11  }
0x1a4: {  	v11 =	vor.u32 $0x80, v13;
	v8 =	vld.idx.msk [tilespmem:v8+s22+$0x0], $0xffff  }
0x1a5: {  	s4 =	simm.s32 $0x1;
	s0 =	sand.u32 $0x1E00, s1;
	v18 =	vor.u32 $0x100, v13;
	v20 =	vld.idx.msk [tilespmem:v12+s22+$0x0], $0xffff  }
0x1a6: {  	s4 =	simm.s32 @!p0 $0x0;
	v23 =	vor.u32 $0x180, v13;
	s29 =	sadd.s32 $0x16800, s0;
	v12 =	vld.idx.msk [tilespmem:v15+s22+$0x0], $0xffff  }
0x1a7: {  	s0 =	sshll.u32 s4, $0x6;
	s4 =	sor.u32 s10, s29;
	s6 =	sor.u32 s25, s29;
	v15 =	vshll.u32 v16, $0x2;
	v10 =	vld.idx.msk [tilespmem:v10+s22+$0x0], $0xffff  }
0x1a8: {  	s0 =	sadd.s32 s0, s1;
	s10 =	smov.u32 s13;
	s1 =	smov.u32 s24;
	v16 =	vand.u32 $0x7F, v16;
	v15 =	vand.u32 $0xFFFFFE00, v15;
	[tilespmem:s4+$0x0] =	vst v4;
	v4 =	vld.idx.msk [tilespmem:v13+s22+$0x0], $0xffff  }
0x1a9: {  	s7 =	sadd.s32 $0x10, s0;
	s28 =	sadd.s32 $0x20, s0;
	v13 =	vor.u32 v16, v15;
	[tilespmem:s4+$0x80] =	vst v5;
	v5 =	vld.idx.msk [tilespmem:v11+s22+$0x0], $0xffff;
	s4 =	sor.u32 $0x100, s0  }
0x1aa: {  	s25 =	smov.u32 s15;
	s13 =	sor.u32 $0x180, s0;
	v11 =	vor.u32 $0x180, v13;
	[tilespmem:s4+$0x16800] =	vst v6;
	v6 =	vld.idx.msk [tilespmem:v18+s22+$0x0], $0xffff;
	s4 =	sadd.s32 $0x30, s0  }
.Ltmp11:
0x1ab: {  	v19 =	vor.u32 $0x100, v13;
	s0 =	sor.u32 s9, s29;
	s9 =	smov.u32 s12;
	[tilespmem:s13+$0x16800] =	vst v7;
	v7 =	vld.idx.msk [tilespmem:v23+s22+$0x0], $0xffff;
	(pc) =	sbr.rel @p2 .LBB2_17-.Ltmp11, $4  }
0x1ac: {  	v15 =	vshll.u32 v17, $0x2;
	v16 =	vld [tilespmem:s3+$0x0];
	[tilespmem:s0+$0x0] =	vst v21  }
0x1ad: {  	v17 =	vand.u32 $0x7F, v17;
	v15 =	vand.u32 $0xFFFFFE00, v15;
	v18 =	vor.u32 $0x80, v13;
	[tilespmem:s0+$0x80] =	vst v14;
	s0 =	sor.u32 $0x100, s7  }
0x1ae: {  	s31 =	sadd.s32 $0x40, s31;
	v15 =	vor.u32 v17, v15;
	v13 =	vld.idx.msk [tilespmem:v13+s22+$0x0], $0xffff;
	[tilespmem:s0+$0x16800] =	vst v20;
	s0 =	sor.u32 $0x180, s7  }
0x1af: {  	s26 =	smov.u32 s2;
	p0 =	por !p0, !p0;
	s30 =	sor.u32 $0x100, s28;
	v17 =	vor.u32 $0x180, v15;
	v14 =	vor.u32 $0x80, v15;
	v11 =	vld.idx.msk [tilespmem:v11+s22+$0x0], $0xffff;
	[tilespmem:s0+$0x16800] =	vst v22  }
0x1b0: {  	_ =	sdelay $0x2  }
0x1b1: {  	v20 =	vshll.u32 v16, $0x2  }
0x1b2: {  	v19 =	vld.idx.msk [tilespmem:v19+s22+$0x0], $0xffff;
	v55 =	vor.u32 $0x100, v15;
	v53 =	vand.u32 $0x7F, v16;
	v20 =	vand.u32 $0xFFFFFE00, v20  }
0x1b3: {  	v18 =	vld.idx.msk [tilespmem:v18+s22+$0x0], $0xffff;
	[tilespmem:s6+$0x80] =	vst v12;
	v16 =	vor.u32 v53, v20  }
0x1b4: {  	v54 =	vld.idx.msk [tilespmem:v15+s22+$0x0], $0xffff;
	[tilespmem:s6+$0x0] =	vst v9;
	v20 =	vor.u32 $0x100, v16  }
0x1b5: {  	v56 =	vld.idx.msk [tilespmem:v17+s22+$0x0], $0xffff;
	s0 =	sor.u32 $0x180, s28;
	[tilespmem:s30+$0x16800] =	vst v8;
	v57 =	vor.u32 $0x80, v16  }
0x1b6: {  	v14 =	vld.idx.msk [tilespmem:v14+s22+$0x0], $0xffff;
	s30 =	sor.u32 s23, s29;
	[tilespmem:s0+$0x16800] =	vst v10;
	v58 =	vor.u32 $0x180, v16  }
0x1b7: {  	[tilespmem:s30+$0x0] =	vst v2;
	v61 =	vld.idx.msk [tilespmem:v55+s22+$0x0], $0xffff  }
0x1b8: {  	s2 =	sor.u32 $0x100, s4;
	s31 =	sand.u32 $0x1E00, s1;
	s3 =	simm.s32 $0x1;
	[tilespmem:s30+$0x80] =	vst v3;
	v59 =	vld.idx.msk [tilespmem:v16+s22+$0x0], $0xffff  }
0x1b9: {  	s6 =	sor.u32 $0x180, s4;
	s3 =	simm.s32 @!p0 $0x0;
	s0 =	sadd.s32 $0x16800, s31;
	[tilespmem:s2+$0x16800] =	vst v1;
	v60 =	vld.idx.msk [tilespmem:v20+s22+$0x0], $0xffff  }
0x1ba: {  	s7 =	sshll.u32 s3, $0x6;
	s12 =	sor.u32 s10, s0;
	[tilespmem:s6+$0x16800] =	vst v0;
	v62 =	vld.idx.msk [tilespmem:v57+s22+$0x0], $0xffff  }
0x1bb: {  	s13 =	sadd.s32 s7, s1;
	v63 =	vld.idx.msk [tilespmem:v58+s22+$0x0], $0xffff;
	[tilespmem:s12+$0x0] =	vst v4  }
0x1bc: {  	s2 =	sor.u32 $0x100, s13;
	[tilespmem:s12+$0x80] =	vst v5  }
0x1bd: {  	s14 =	sor.u32 $0x180, s13;
	[tilespmem:s2+$0x16800] =	vst v6  }
0x1be: {  	s15 =	sor.u32 s9, s0;
	[tilespmem:s14+$0x16800] =	vst v7  }
0x1bf: {  	s17 =	sadd.s32 $0x10, s13;
	[tilespmem:s15+$0x0] =	vst v54  }
0x1c0: {  	s23 =	sor.u32 $0x100, s17;
	[tilespmem:s15+$0x80] =	vst v14  }
0x1c1: {  	s24 =	sor.u32 $0x180, s17;
	[tilespmem:s23+$0x16800] =	vst v61  }
0x1c2: {  	s25 =	sor.u32 s25, s0;
	[tilespmem:s24+$0x16800] =	vst v56  }
0x1c3: {  	s26 =	sadd.s32 $0x20, s13;
	[tilespmem:s25+$0x80] =	vst v62  }
0x1c4: {  	s28 =	sor.u32 $0x100, s26;
	[tilespmem:s25+$0x0] =	vst v59  }
0x1c5: {  	s2 =	sor.u32 $0x180, s26;
	[tilespmem:s28+$0x16800] =	vst v60  }
0x1c6: {  	s0 =	sor.u32 s5, s0;
	[tilespmem:s2+$0x16800] =	vst v63  }
0x1c7: {  	s1 =	sadd.s32 $0x30, s13;
	[tilespmem:s0+$0x0] =	vst v13  }
0x1c8: {  	s29 =	sor.u32 $0x100, s1;
	[tilespmem:s0+$0x80] =	vst v18  }
.Ltmp12:
0x1c9: {  	s30 =	sor.u32 $0x180, s1;
	[tilespmem:s29+$0x16800] =	vst v19;
	(pc) =	sbr.rel @p1 .LBB2_20-.Ltmp12, $4  }
0x1ca: {  	[tilespmem:s30+$0x16800] =	vst v11  }
0x1cb: {  	s0 =	rddreg [dreg:$0xc]  }
0x1cc: {  	s31 =	simm.s32 $0x16800;
	s14 =	simm.s32 $0x200;
	s0 =	sadd.s32 s8, s0  }
0x1cd: {  	[hbm4b:s0+s14] =	stream.strided.scatter [tilespmem:s31], [sflag:$0x8], $0x2000, s18, s14, $0x38;
	[tilespmem:$0x18800] =	vst v63  }
0x1ce: {  	s0 =	rddreg [dreg:$0xd]  }
.Ltmp13:
0x1cf: {  	s0 =	sadd.s32 s16, s0;
	(pc) =	sbr.rel .LBB2_2-.Ltmp13, $4  }
0x1d0: {  	s0 =	sshll.u32 s0, $0x9  }
0x1d1: {  	s1 =	rddreg [dreg:$0x5];
	s0 =	sand.u32 $0x7FF000, s0  }
0x1d2: {  	s11 =	sadd.s32 $0x1, s11;
	s0 =	sadd.s32 s0, s1  }
0x1d3: {  	[tilespmem:s22], [sflag:$0x4] =	stream.strided.gather [hbm4b:s0+s14], $0x4000, s18, s14, $0x38;
	[tilespmem:$0x18800] =	vst v63  }
.LBB2_21:
0x1d4: {  	_ =	sfence.sel $0x180000  }
0x1d5: {  	[bflag:$0x0] =	sbarrier.arrive $0xFFFF  }
0x1d6: {  	_ =	strace $0x90000047  }
0x1d7: {  	s0 =	stileid.u32;
	[bflag:$0x2] =	sbarrier.arrive $0xFFFF  }
0x1d8: {  	p0 =	sne.s32 s0, $0x0;
	s0 =	rddreg [dreg:$0x3]  }
0x1d9: {  	s0 =	sadd.s32 @!p0 $0x100000, s0  }
0x1da: {  	[sflag:s0] =	ssyncadd.tile.s32 @!p0 $0x1;
	_ =	shalt  }
.Lfunc_end2:
_tile_overlayer_lowered:
.L_overlay_start_2:
0x1db: {  	(tag) =	ssettag $0x2  }
0x1dc: {  	s0 =	rddreg [dreg:$0x0];
	s2 =	stileid.u32  }
0x1dd: {  	s1 =	rddreg [dreg:$0x1];
	p0 =	sne.s32 s2, $0x0  }
0x1de: {  	s3 =	rddreg [dreg:$0x2];
	[bflag:$0x3] =	sbarrier.arrive $0xFFFF;
	s2 =	simm.s32 @!p0 $0x1C09  }
0x1df: {  	[timem:s3], [sflag:s2] =	dma.local @!p0 [hbm:s0], s1  }
0x1e0: {  	s0 =	simm.s32 @!p0 $0x9  }
0x1e1: {  	_ =	swait.ge @!p0 [sflag:s0], s1  }
0x1e2: {  	s1 =	ssub.s32 @!p0 $0x0, s1;
	[sflag:s0] =	ssyncset.done @!p0 $0x0  }
0x1e3: {  	[sflag:s0] =	ssyncadd.s32 @!p0 s1  }
0x1e4: {  	[bflag:$0x3] =	sbarrier.arrive $0xFFFF  }
0x1e5: {  	_ =	shalt  }

</sc_bundles>
